<compile_context>
chip_gen: v7x
topology: tpu7x:2x2x1
jax: 0.10.2.dev20260603
libtpu: 0.0.44.dev20260713+nightly
codegen_flags: <defaults>
</compile_context>

<pallas_src>
import functools

import jax
import jax.numpy as jnp
from jax import lax
from jax.experimental import pallas as pl
from jax.experimental.pallas import tpu as pltpu
from jax.experimental.pallas import tpu_sc as plsc

_N, _B, _D = 524288, 32, 128
_NC, _NS = 2, 16
_NW = _NC * _NS
_RPW = _N // _NW
_NBLK = _RPW // 16
_BIG = 256
_MAXPEND = 8


def _sc_broadcast(x_glob, ids):
    mesh = plsc.VectorSubcoreMesh(core_axis_name="c", subcore_axis_name="s")

    @functools.partial(
        pl.kernel,
        mesh=mesh,
        out_type=jax.ShapeDtypeStruct((_N * _D,), jnp.float32),
        scratch_types=[
            pltpu.VMEM((_RPW + 16,), jnp.int32),
            pltpu.VMEM((_BIG * _D,), jnp.float32),
            pltpu.VMEM((_BIG * _D,), jnp.float32),
            pltpu.VMEM((16, _D), jnp.float32),
            pltpu.VMEM((16, _D), jnp.float32),
            pltpu.SemaphoreType.DMA,
            pltpu.SemaphoreType.DMA,
            pltpu.SemaphoreType.DMA,
            pltpu.SemaphoreType.DMA,
            pltpu.SemaphoreType.DMA,
        ],
    )
    def k(table_hbm, idx_hbm, out_hbm, idx_v, rbuf0, rbuf1, gbuf0, gbuf1,
          sg0, sg1, ss0, ss1, st):
        wid = lax.axis_index("s") * _NC + lax.axis_index("c")
        base = wid * _RPW
        rbuf = (rbuf0, rbuf1)
        gbuf = (gbuf0, gbuf1)
        sg = (sg0, sg1)
        ss = (ss0, ss1)

        pltpu.sync_copy(idx_hbm.at[pl.ds(base, 16)], idx_v.at[pl.ds(0, 16)])

        def gather_start(b, bid):
            idx16 = jnp.full((16,), bid, dtype=jnp.int32)
            pltpu.async_copy(table_hbm.at[idx16], gbuf[b], sg[b])

        def gather_wait(b):
            idx16 = jnp.zeros((16,), dtype=jnp.int32)
            pltpu.make_async_copy(table_hbm.at[idx16], gbuf[b], sg[b]).wait()

        def store_wait_one(b):
            pltpu.make_async_copy(rbuf[b],
                                  out_hbm.at[pl.ds(base * _D, _BIG * _D)],
                                  ss[b]).wait()

        def drain_buf(b, npend):
            lax.fori_loop(0, npend, lambda i, c: (store_wait_one(b), c)[1], 0)
            return jnp.int32(0)

        def cap_pending(b, npend):
            def w(n):
                store_wait_one(b)
                return n - 1
            return lax.cond(npend >= _MAXPEND, w, lambda n: n, npend)

        def big_store(b, pos, npend):
            npend = cap_pending(b, npend)
            pltpu.async_copy(rbuf[b],
                             out_hbm.at[pl.ds((base + pos) * _D, _BIG * _D)],
                             ss[b])
            return npend + 1

        def small_store16(b, pos):
            pltpu.async_copy(rbuf[b].at[pl.ds(0, 16 * _D)],
                             out_hbm.at[pl.ds((base + pos) * _D, 16 * _D)],
                             st).wait()

        def small_store1(b, pos):
            pltpu.async_copy(rbuf[b].at[pl.ds(0, _D)],
                             out_hbm.at[pl.ds((base + pos) * _D, _D)],
                             st).wait()

        def replicate(b):
            row = [gbuf[b][0, pl.ds(16 * j, 16)] for j in range(_D // 16)]

            def rep(r, c):
                for u in range(2):
                    for j in range(_D // 16):
                        rbuf[b][pl.ds((2 * r + u) * _D + 16 * j, 16)] = row[j]
                return c

            lax.fori_loop(0, _BIG // 2, rep, 0)

        def find_run_end(pos, vid):
            def body_f(i, c):
                lo, hi = c
                mid = (lo + hi) // 2
                gt = idx_v[pl.ds(16 * mid, 16)][0] > vid
                return jnp.where(gt, lo, mid), jnp.where(gt, mid, hi)

            lo, hi = lax.fori_loop(
                0, _NBLK.bit_length(), body_f,
                (pos // 16, jnp.int32(_NBLK)))
            blk = idx_v[pl.ds(16 * lo, 16)]
            cnt = jnp.int32(0)
            for j in range(16):
                cnt = cnt + jnp.where(blk[j] <= vid, 1, 0).astype(jnp.int32)
            return 16 * lo + cnt

        def process(b, pos, vid, run_end, npend):
            npend = drain_buf(b, npend)

            def do_refill(_):
                gather_wait(b)
                replicate(b)
                return 0

            lax.cond(pos > 0, do_refill, lambda _: 0, 0)

            def prefetch(_):
                nvid = idx_v[pl.ds(run_end, 16)][0]
                gather_start(1 - b, nvid)
                return 0

            lax.cond(run_end < _RPW, prefetch, lambda _: 0, 0)

            ln = run_end - pos

            def big_path(npend):
                nbig = ln // _BIG
                npend = lax.fori_loop(
                    0, nbig, lambda i, n: big_store(b, pos + i * _BIG, n),
                    npend)
                return lax.cond(ln % _BIG > 0,
                                lambda n: big_store(b, run_end - _BIG, n),
                                lambda n: n, npend)

            def small_path(npend):
                n16 = ln // 16
                lax.fori_loop(
                    0, n16,
                    lambda i, c: (small_store16(b, pos + 16 * i), c)[1], 0)

                def tail(c):
                    def overlap(c):
                        small_store16(b, run_end - 16)
                        return c

                    def ones(c):
                        return lax.fori_loop(
                            0, ln % 16,
                            lambda i, cc: (small_store1(b, pos + 16 * n16 + i),
                                           cc)[1], c)

                    return lax.cond(ln >= 16, overlap, ones, c)

                lax.cond(ln % 16 > 0, tail, lambda c: c, 0)
                return npend

            return lax.cond(ln >= _BIG, big_path, small_path, npend)

        def run_body(pos, cb, npend0, npend1):
            vid = idx_v[pl.ds(pos, 16)][0]
            run_end = find_run_end(pos, vid)

            def use0(npend0, npend1):
                return process(0, pos, vid, run_end, npend0), npend1

            def use1(npend0, npend1):
                return npend0, process(1, pos, vid, run_end, npend1)

            npend0, npend1 = lax.cond(cb == 0, use0, use1, npend0, npend1)
            return run_end, 1 - cb, npend0, npend1

        gather_start(0, idx_v[pl.ds(0, 16)][0])
        pltpu.async_copy(idx_hbm.at[pl.ds(base + 16, _RPW - 16)],
                         idx_v.at[pl.ds(16, _RPW - 16)], st)
        gather_wait(0)
        replicate(0)
        pltpu.make_async_copy(idx_hbm.at[pl.ds(base + 16, _RPW - 16)],
                              idx_v.at[pl.ds(16, _RPW - 16)], st).wait()
        idx_v[pl.ds(_RPW, 16)] = jnp.full((16,), _B, dtype=jnp.int32)

        def outer(i, carry):
            pos, cb, npend0, npend1 = carry
            return lax.cond(pos < _RPW,
                            run_body,
                            lambda p, c, n0, n1: (p, c, n0, n1),
                            pos, cb, npend0, npend1)

        pos, cb, npend0, npend1 = lax.fori_loop(
            0, _B, outer,
            (jnp.int32(0), jnp.int32(0), jnp.int32(0), jnp.int32(0)))
        drain_buf(0, npend0)
        drain_buf(1, npend1)

    return k(x_glob, ids)


def kernel(x, batch_ids, x_glob):
    del x
    ids = batch_ids.astype(jnp.int32)
    return _sc_broadcast(x_glob, ids).reshape(_N, _D)

# --- scband reference (transcript-rebuilt; emitter-appended) ---
"""Pipeline reference for scband-minkowski-broadcast-54357106098853 (READ-ONLY COPY).

The authoritative reference and input builder live on the scoring server;
editing this copy changes nothing except your own understanding.
"""

import jax, jax.numpy as jnp
import numpy as np


def setup_inputs(seed: int = 0) -> dict:
    key = jax.random.key(seed)
    k1, k2, k3 = jax.random.split(key, 3)
    N, B, D = 524288, 32, 128
    x = jax.random.normal(k1, (N, D), dtype=jnp.float32)
    batch_ids = jnp.sort(jax.random.randint(k2, (N,), 0, B)).astype(jnp.int64)
    x_glob = jax.random.normal(k3, (B, D), dtype=jnp.float32)
    return {"x": x, "batch_ids": batch_ids, "x_glob": x_glob}


def reference(x, batch_ids, x_glob):
    # MinkowskiBroadcast: perm_mat.mm(input_glob.F) where perm_mat is the
    # N x B one-hot matrix with perm_mat[i, batch_ids[i]] = 1.
    # Each input coordinate receives a copy of its batch's global feature.
    # x (the first sparse tensor's features) only defines the output
    # coordinates/row count; the values come entirely from x_glob.
    out = jnp.take(x_glob, batch_ids, axis=0)
    return out

if __name__ == "__main__":
    import jax
    _d = setup_inputs()
    print(jax.jit(kernel)(*tuple(_d.values())))

</pallas_src>

<mosaic_0001>
#map = affine_map<(d0, d1) -> (0, 0)>
#map1 = affine_map<(d0, d1) -> (0)>
module attributes {stable_mosaic.version = 14 : i64} {
  func.func @k(%arg0: i32, %arg1: i32, %arg2: memref<32x128xf32, #tpu.memory_space<hbm>>, %arg3: memref<524288xi32, #tpu.memory_space<hbm>>, %arg4: memref<67108864xf32, #tpu.memory_space<hbm>>, %arg5: memref<16400xi32, #tpu.memory_space<vmem>>, %arg6: memref<32768xf32, #tpu.memory_space<vmem>>, %arg7: memref<32768xf32, #tpu.memory_space<vmem>>, %arg8: memref<16x128xf32, #tpu.memory_space<vmem>>, %arg9: memref<16x128xf32, #tpu.memory_space<vmem>>, %arg10: memref<!tpu.dma_semaphore, #tpu.memory_space<semaphore_mem>>, %arg11: memref<!tpu.dma_semaphore, #tpu.memory_space<semaphore_mem>>, %arg12: memref<!tpu.dma_semaphore, #tpu.memory_space<semaphore_mem>>, %arg13: memref<!tpu.dma_semaphore, #tpu.memory_space<semaphore_mem>>, %arg14: memref<!tpu.dma_semaphore, #tpu.memory_space<semaphore_mem>>) attributes {dimension_semantics = [#tpu.dimension_semantics<core_parallel>, #tpu.dimension_semantics<subcore_parallel>], iteration_bounds = array<i64: 2, 16>, scalar_prefetch = 0 : i64, scratch_operands = 10 : i64, tpu.core_type = #tpu.core_type<sc_vector_subcore>, window_params = [{transform_indices = #map}, {transform_indices = #map1}, {transform_indices = #map1}]} {
    %mul3A = arith.constant 2 : i32
    %mul3A_0 = arith.muli %arg1, %mul3A : i32
    %add3A = arith.addi %mul3A_0, %arg0 : i32
    %mul3A_1 = arith.constant 16384 : i32
    %mul3A_2 = arith.muli %add3A, %mul3A_1 : i32
    "tpu.region"() ({
      %run_scoped3A = tpu.sem_alloc : memref<!tpu.dma_semaphore, #tpu.memory_space<semaphore_mem>>
      %dma_start3A_106 = arith.constant 0 : i32
      %dma_start3A_107 = tpu.memref_slice %arg5[%dma_start3A_106] : memref<16400xi32, #tpu.memory_space<vmem>> -> memref<16xi32, #tpu.memory_space<vmem>>
      %dma_start3A_108 = tpu.memref_slice %arg3[%mul3A_2] : memref<524288xi32, #tpu.memory_space<hbm>> -> memref<16xi32, #tpu.memory_space<hbm>>
      %dma_start3A_109 = arith.constant 0 : i32
      %dma_start3A_110 = tpu.memref_slice %arg5[%dma_start3A_109] : memref<16400xi32, #tpu.memory_space<vmem>> -> memref<16xi32, #tpu.memory_space<vmem>>
      %dma_start3A_111 = tpu.memref_slice %arg3[%mul3A_2] : memref<524288xi32, #tpu.memory_space<hbm>> -> memref<16xi32, #tpu.memory_space<hbm>>
      tpu.enqueue_dma source(%dma_start3A_111 : memref<16xi32, #tpu.memory_space<hbm>>) target(%dma_start3A_110 : memref<16xi32, #tpu.memory_space<vmem>>) target_semaphore(%run_scoped3A : memref<!tpu.dma_semaphore, #tpu.memory_space<semaphore_mem>>)
      %dma_wait3A_112 = arith.constant 0 : i32
      %dma_wait3A_113 = tpu.memref_slice %arg5[%dma_wait3A_112] : memref<16400xi32, #tpu.memory_space<vmem>> -> memref<16xi32, #tpu.memory_space<vmem>>
      %dma_wait3A_114 = tpu.memref_slice %arg3[%mul3A_2] : memref<524288xi32, #tpu.memory_space<hbm>> -> memref<16xi32, #tpu.memory_space<hbm>>
      %dma_wait3A_115 = arith.constant 0 : i32
      %dma_wait3A_116 = tpu.memref_slice %arg5[%dma_wait3A_115] : memref<16400xi32, #tpu.memory_space<vmem>> -> memref<16xi32, #tpu.memory_space<vmem>>
      %dma_wait3A_117 = tpu.memref_slice %arg3[%mul3A_2] : memref<524288xi32, #tpu.memory_space<hbm>> -> memref<16xi32, #tpu.memory_space<hbm>>
      tpu.wait_dma2 semaphore(%run_scoped3A : memref<!tpu.dma_semaphore, #tpu.memory_space<semaphore_mem>>) src(%dma_wait3A_117 : memref<16xi32, #tpu.memory_space<hbm>>) dst(%dma_wait3A_116 : memref<16xi32, #tpu.memory_space<vmem>>)
      tpu.yield
    }) : () -> ()
    %get3A = arith.constant 0 : index
    %get3A_3 = tpu.vector_load %arg5[%get3A] {strides = array<i32>} : memref<16400xi32, #tpu.memory_space<vmem>>, vector<16xi32>,
    %get3A_4 = vector.shape_cast %get3A_3 : vector<16xi32> to vector<16xi32>
    %slice3A = vector.extract_strided_slice %get3A_4 {offsets = [0], sizes = [1], strides = [1]} : vector<16xi32> to vector<1xi32>
    %squeeze3A = vector.extract %slice3A[0] : i32 from vector<1xi32>
    %broadcast_in_dim3A = vector.broadcast %squeeze3A : i32 to vector<16xi32>
    %dma_start3A = arith.constant 0 : i32
    %dma_start3A_5 = arith.constant 0 : i32
    %dma_start3A_6 = tpu.memref_slice %arg2[%dma_start3A, %dma_start3A_5] : memref<32x128xf32, #tpu.memory_space<hbm>> -> memref<32x128xf32, #tpu.memory_space<hbm>>
    tpu.enqueue_indirect_dma source(%dma_start3A_6 : memref<32x128xf32, #tpu.memory_space<hbm>>) target(%arg8 : memref<16x128xf32, #tpu.memory_space<vmem>>) offsets(%broadcast_in_dim3A : vector<16xi32>) semaphore(%arg10 : memref<!tpu.dma_semaphore, #tpu.memory_space<semaphore_mem>>)
    %add3A_7 = arith.constant 16 : i32
    %add3A_8 = arith.addi %mul3A_2, %add3A_7 : i32
    %dma_start3A_9 = arith.constant 16 : i32
    %dma_start3A_10 = tpu.memref_slice %arg5[%dma_start3A_9] : memref<16400xi32, #tpu.memory_space<vmem>> -> memref<16368xi32, #tpu.memory_space<vmem>>
    %dma_start3A_11 = tpu.memref_slice %arg3[%add3A_8] : memref<524288xi32, #tpu.memory_space<hbm>> -> memref<16368xi32, #tpu.memory_space<hbm>>
    %dma_start3A_12 = arith.constant 16 : i32
    %dma_start3A_13 = tpu.memref_slice %arg5[%dma_start3A_12] : memref<16400xi32, #tpu.memory_space<vmem>> -> memref<16368xi32, #tpu.memory_space<vmem>>
    %dma_start3A_14 = tpu.memref_slice %arg3[%add3A_8] : memref<524288xi32, #tpu.memory_space<hbm>> -> memref<16368xi32, #tpu.memory_space<hbm>>
    tpu.enqueue_dma source(%dma_start3A_14 : memref<16368xi32, #tpu.memory_space<hbm>>) target(%dma_start3A_13 : memref<16368xi32, #tpu.memory_space<vmem>>) target_semaphore(%arg14 : memref<!tpu.dma_semaphore, #tpu.memory_space<semaphore_mem>>)
    %broadcast_in_dim3A_15 = arith.constant 0 : i32
    %broadcast_in_dim3A_16 = vector.broadcast %broadcast_in_dim3A_15 : i32 to vector<16xi32>
    %dma_wait3A = arith.constant 0 : i32
    %dma_wait3A_17 = arith.constant 0 : i32
    %dma_wait3A_18 = tpu.memref_slice %arg2[%dma_wait3A, %dma_wait3A_17] : memref<32x128xf32, #tpu.memory_space<hbm>> -> memref<32x128xf32, #tpu.memory_space<hbm>>
    tpu.wait_indirect_dma semaphore(%arg10 : memref<!tpu.dma_semaphore, #tpu.memory_space<semaphore_mem>>) src(%dma_wait3A_18 : memref<32x128xf32, #tpu.memory_space<hbm>>) dst(%arg8 : memref<16x128xf32, #tpu.memory_space<vmem>>)
    %get3A_19 = arith.constant 0 : i32
    %get3A_20 = arith.index_cast %get3A_19 : i32 to index
    %get3A_21 = arith.constant 0 : index
    %get3A_22 = tpu.vector_load %arg8[%get3A_20, %get3A_21] {strides = array<i32>} : memref<16x128xf32, #tpu.memory_space<vmem>>, vector<1x16xf32>,
    %get3A_23 = vector.shape_cast %get3A_22 : vector<1x16xf32> to vector<16xf32>
    %get3A_24 = arith.constant 0 : i32
    %get3A_25 = arith.index_cast %get3A_24 : i32 to index
    %get3A_26 = arith.constant 16 : index
    %get3A_27 = tpu.vector_load %arg8[%get3A_25, %get3A_26] {strides = array<i32>} : memref<16x128xf32, #tpu.memory_space<vmem>>, vector<1x16xf32>,
    %get3A_28 = vector.shape_cast %get3A_27 : vector<1x16xf32> to vector<16xf32>
    %get3A_29 = arith.constant 0 : i32
    %get3A_30 = arith.index_cast %get3A_29 : i32 to index
    %get3A_31 = arith.constant 32 : index
    %get3A_32 = tpu.vector_load %arg8[%get3A_30, %get3A_31] {strides = array<i32>} : memref<16x128xf32, #tpu.memory_space<vmem>>, vector<1x16xf32>,
    %get3A_33 = vector.shape_cast %get3A_32 : vector<1x16xf32> to vector<16xf32>
    %get3A_34 = arith.constant 0 : i32
    %get3A_35 = arith.index_cast %get3A_34 : i32 to index
    %get3A_36 = arith.constant 48 : index
    %get3A_37 = tpu.vector_load %arg8[%get3A_35, %get3A_36] {strides = array<i32>} : memref<16x128xf32, #tpu.memory_space<vmem>>, vector<1x16xf32>,
    %get3A_38 = vector.shape_cast %get3A_37 : vector<1x16xf32> to vector<16xf32>
    %get3A_39 = arith.constant 0 : i32
    %get3A_40 = arith.index_cast %get3A_39 : i32 to index
    %get3A_41 = arith.constant 64 : index
    %get3A_42 = tpu.vector_load %arg8[%get3A_40, %get3A_41] {strides = array<i32>} : memref<16x128xf32, #tpu.memory_space<vmem>>, vector<1x16xf32>,
    %get3A_43 = vector.shape_cast %get3A_42 : vector<1x16xf32> to vector<16xf32>
    %get3A_44 = arith.constant 0 : i32
    %get3A_45 = arith.index_cast %get3A_44 : i32 to index
    %get3A_46 = arith.constant 80 : index
    %get3A_47 = tpu.vector_load %arg8[%get3A_45, %get3A_46] {strides = array<i32>} : memref<16x128xf32, #tpu.memory_space<vmem>>, vector<1x16xf32>,
    %get3A_48 = vector.shape_cast %get3A_47 : vector<1x16xf32> to vector<16xf32>
    %get3A_49 = arith.constant 0 : i32
    %get3A_50 = arith.index_cast %get3A_49 : i32 to index
    %get3A_51 = arith.constant 96 : index
    %get3A_52 = tpu.vector_load %arg8[%get3A_50, %get3A_51] {strides = array<i32>} : memref<16x128xf32, #tpu.memory_space<vmem>>, vector<1x16xf32>,
    %get3A_53 = vector.shape_cast %get3A_52 : vector<1x16xf32> to vector<16xf32>
    %get3A_54 = arith.constant 0 : i32
    %get3A_55 = arith.index_cast %get3A_54 : i32 to index
    %get3A_56 = arith.constant 112 : index
    %get3A_57 = tpu.vector_load %arg8[%get3A_55, %get3A_56] {strides = array<i32>} : memref<16x128xf32, #tpu.memory_space<vmem>>, vector<1x16xf32>,
    %get3A_58 = vector.shape_cast %get3A_57 : vector<1x16xf32> to vector<16xf32>
    %scan3A = arith.constant 0 : i32
    %scan3A_59 = arith.constant 0 : i32
    %scan3A_60 = arith.constant 128 : i32
    %scan3A_61 = arith.addi %scan3A_59, %scan3A_60 : i32
    %scan3A_62 = arith.constant 1 : i32
    scf.for %scan3A_106 = %scan3A_59 to %scan3A_61 step %scan3A_62  : i32 {
      %mul3A_107 = arith.constant 2 : i32
      %mul3A_108 = arith.muli %mul3A_107, %scan3A_106 : i32
      %add3A_109 = arith.constant 0 : i32
      %add3A_110 = arith.addi %mul3A_108, %add3A_109 : i32
      %mul3A_111 = arith.constant 128 : i32
      %mul3A_112 = arith.muli %add3A_110, %mul3A_111 : i32
      %add3A_113 = arith.constant 0 : i32
      %add3A_114 = arith.addi %mul3A_112, %add3A_113 : i32
      %swap3A_115 = arith.index_cast %add3A_114 : i32 to index
      %swap3A_116 = tpu.vector_load %arg6[%swap3A_115] {strides = array<i32>} : memref<32768xf32, #tpu.memory_space<vmem>>, vector<16xf32>,
      %swap3A_117 = vector.shape_cast %swap3A_116 : vector<16xf32> to vector<16xf32>
      %swap3A_118 = vector.shape_cast %get3A_23 : vector<16xf32> to vector<16xf32>
      tpu.vector_store %arg6[%swap3A_115], %swap3A_118 {strides = array<i32>} : memref<32768xf32, #tpu.memory_space<vmem>>, vector<16xf32>,
      %mul3A_119 = arith.constant 2 : i32
      %mul3A_120 = arith.muli %mul3A_119, %scan3A_106 : i32
      %add3A_121 = arith.constant 0 : i32
      %add3A_122 = arith.addi %mul3A_120, %add3A_121 : i32
      %mul3A_123 = arith.constant 128 : i32
      %mul3A_124 = arith.muli %add3A_122, %mul3A_123 : i32
      %add3A_125 = arith.constant 16 : i32
      %add3A_126 = arith.addi %mul3A_124, %add3A_125 : i32
      %swap3A_127 = arith.index_cast %add3A_126 : i32 to index
      %swap3A_128 = tpu.vector_load %arg6[%swap3A_127] {strides = array<i32>} : memref<32768xf32, #tpu.memory_space<vmem>>, vector<16xf32>,
      %swap3A_129 = vector.shape_cast %swap3A_128 : vector<16xf32> to vector<16xf32>
      %swap3A_130 = vector.shape_cast %get3A_28 : vector<16xf32> to vector<16xf32>
      tpu.vector_store %arg6[%swap3A_127], %swap3A_130 {strides = array<i32>} : memref<32768xf32, #tpu.memory_space<vmem>>, vector<16xf32>,
      %mul3A_131 = arith.constant 2 : i32
      %mul3A_132 = arith.muli %mul3A_131, %scan3A_106 : i32
      %add3A_133 = arith.constant 0 : i32
      %add3A_134 = arith.addi %mul3A_132, %add3A_133 : i32
      %mul3A_135 = arith.constant 128 : i32
      %mul3A_136 = arith.muli %add3A_134, %mul3A_135 : i32
      %add3A_137 = arith.constant 32 : i32
      %add3A_138 = arith.addi %mul3A_136, %add3A_137 : i32
      %swap3A_139 = arith.index_cast %add3A_138 : i32 to index
      %swap3A_140 = tpu.vector_load %arg6[%swap3A_139] {strides = array<i32>} : memref<32768xf32, #tpu.memory_space<vmem>>, vector<16xf32>,
      %swap3A_141 = vector.shape_cast %swap3A_140 : vector<16xf32> to vector<16xf32>
      %swap3A_142 = vector.shape_cast %get3A_33 : vector<16xf32> to vector<16xf32>
      tpu.vector_store %arg6[%swap3A_139], %swap3A_142 {strides = array<i32>} : memref<32768xf32, #tpu.memory_space<vmem>>, vector<16xf32>,
      %mul3A_143 = arith.constant 2 : i32
      %mul3A_144 = arith.muli %mul3A_143, %scan3A_106 : i32
      %add3A_145 = arith.constant 0 : i32
      %add3A_146 = arith.addi %mul3A_144, %add3A_145 : i32
      %mul3A_147 = arith.constant 128 : i32
      %mul3A_148 = arith.muli %add3A_146, %mul3A_147 : i32
      %add3A_149 = arith.constant 48 : i32
      %add3A_150 = arith.addi %mul3A_148, %add3A_149 : i32
      %swap3A_151 = arith.index_cast %add3A_150 : i32 to index
      %swap3A_152 = tpu.vector_load %arg6[%swap3A_151] {strides = array<i32>} : memref<32768xf32, #tpu.memory_space<vmem>>, vector<16xf32>,
      %swap3A_153 = vector.shape_cast %swap3A_152 : vector<16xf32> to vector<16xf32>
      %swap3A_154 = vector.shape_cast %get3A_38 : vector<16xf32> to vector<16xf32>
      tpu.vector_store %arg6[%swap3A_151], %swap3A_154 {strides = array<i32>} : memref<32768xf32, #tpu.memory_space<vmem>>, vector<16xf32>,
      %mul3A_155 = arith.constant 2 : i32
      %mul3A_156 = arith.muli %mul3A_155, %scan3A_106 : i32
      %add3A_157 = arith.constant 0 : i32
      %add3A_158 = arith.addi %mul3A_156, %add3A_157 : i32
      %mul3A_159 = arith.constant 128 : i32
      %mul3A_160 = arith.muli %add3A_158, %mul3A_159 : i32
      %add3A_161 = arith.constant 64 : i32
      %add3A_162 = arith.addi %mul3A_160, %add3A_161 : i32
      %swap3A_163 = arith.index_cast %add3A_162 : i32 to index
      %swap3A_164 = tpu.vector_load %arg6[%swap3A_163] {strides = array<i32>} : memref<32768xf32, #tpu.memory_space<vmem>>, vector<16xf32>,
      %swap3A_165 = vector.shape_cast %swap3A_164 : vector<16xf32> to vector<16xf32>
      %swap3A_166 = vector.shape_cast %get3A_43 : vector<16xf32> to vector<16xf32>
      tpu.vector_store %arg6[%swap3A_163], %swap3A_166 {strides = array<i32>} : memref<32768xf32, #tpu.memory_space<vmem>>, vector<16xf32>,
      %mul3A_167 = arith.constant 2 : i32
      %mul3A_168 = arith.muli %mul3A_167, %scan3A_106 : i32
      %add3A_169 = arith.constant 0 : i32
      %add3A_170 = arith.addi %mul3A_168, %add3A_169 : i32
      %mul3A_171 = arith.constant 128 : i32
      %mul3A_172 = arith.muli %add3A_170, %mul3A_171 : i32
      %add3A_173 = arith.constant 80 : i32
      %add3A_174 = arith.addi %mul3A_172, %add3A_173 : i32
      %swap3A_175 = arith.index_cast %add3A_174 : i32 to index
      %swap3A_176 = tpu.vector_load %arg6[%swap3A_175] {strides = array<i32>} : memref<32768xf32, #tpu.memory_space<vmem>>, vector<16xf32>,
      %swap3A_177 = vector.shape_cast %swap3A_176 : vector<16xf32> to vector<16xf32>
      %swap3A_178 = vector.shape_cast %get3A_48 : vector<16xf32> to vector<16xf32>
      tpu.vector_store %arg6[%swap3A_175], %swap3A_178 {strides = array<i32>} : memref<32768xf32, #tpu.memory_space<vmem>>, vector<16xf32>,
      %mul3A_179 = arith.constant 2 : i32
      %mul3A_180 = arith.muli %mul3A_179, %scan3A_106 : i32
      %add3A_181 = arith.constant 0 : i32
      %add3A_182 = arith.addi %mul3A_180, %add3A_181 : i32
      %mul3A_183 = arith.constant 128 : i32
      %mul3A_184 = arith.muli %add3A_182, %mul3A_183 : i32
      %add3A_185 = arith.constant 96 : i32
      %add3A_186 = arith.addi %mul3A_184, %add3A_185 : i32
      %swap3A_187 = arith.index_cast %add3A_186 : i32 to index
      %swap3A_188 = tpu.vector_load %arg6[%swap3A_187] {strides = array<i32>} : memref<32768xf32, #tpu.memory_space<vmem>>, vector<16xf32>,
      %swap3A_189 = vector.shape_cast %swap3A_188 : vector<16xf32> to vector<16xf32>
      %swap3A_190 = vector.shape_cast %get3A_53 : vector<16xf32> to vector<16xf32>
      tpu.vector_store %arg6[%swap3A_187], %swap3A_190 {strides = array<i32>} : memref<32768xf32, #tpu.memory_space<vmem>>, vector<16xf32>,
      %mul3A_191 = arith.constant 2 : i32
      %mul3A_192 = arith.muli %mul3A_191, %scan3A_106 : i32
      %add3A_193 = arith.constant 0 : i32
      %add3A_194 = arith.addi %mul3A_192, %add3A_193 : i32
      %mul3A_195 = arith.constant 128 : i32
      %mul3A_196 = arith.muli %add3A_194, %mul3A_195 : i32
      %add3A_197 = arith.constant 112 : i32
      %add3A_198 = arith.addi %mul3A_196, %add3A_197 : i32
      %swap3A_199 = arith.index_cast %add3A_198 : i32 to index
      %swap3A_200 = tpu.vector_load %arg6[%swap3A_199] {strides = array<i32>} : memref<32768xf32, #tpu.memory_space<vmem>>, vector<16xf32>,
      %swap3A_201 = vector.shape_cast %swap3A_200 : vector<16xf32> to vector<16xf32>
      %swap3A_202 = vector.shape_cast %get3A_58 : vector<16xf32> to vector<16xf32>
      tpu.vector_store %arg6[%swap3A_199], %swap3A_202 {strides = array<i32>} : memref<32768xf32, #tpu.memory_space<vmem>>, vector<16xf32>,
      %mul3A_203 = arith.constant 2 : i32
      %mul3A_204 = arith.muli %mul3A_203, %scan3A_106 : i32
      %add3A_205 = arith.constant 1 : i32
      %add3A_206 = arith.addi %mul3A_204, %add3A_205 : i32
      %mul3A_207 = arith.constant 128 : i32
      %mul3A_208 = arith.muli %add3A_206, %mul3A_207 : i32
      %add3A_209 = arith.constant 0 : i32
      %add3A_210 = arith.addi %mul3A_208, %add3A_209 : i32
      %swap3A_211 = arith.index_cast %add3A_210 : i32 to index
      %swap3A_212 = tpu.vector_load %arg6[%swap3A_211] {strides = array<i32>} : memref<32768xf32, #tpu.memory_space<vmem>>, vector<16xf32>,
      %swap3A_213 = vector.shape_cast %swap3A_212 : vector<16xf32> to vector<16xf32>
      %swap3A_214 = vector.shape_cast %get3A_23 : vector<16xf32> to vector<16xf32>
      tpu.vector_store %arg6[%swap3A_211], %swap3A_214 {strides = array<i32>} : memref<32768xf32, #tpu.memory_space<vmem>>, vector<16xf32>,
      %mul3A_215 = arith.constant 2 : i32
      %mul3A_216 = arith.muli %mul3A_215, %scan3A_106 : i32
      %add3A_217 = arith.constant 1 : i32
      %add3A_218 = arith.addi %mul3A_216, %add3A_217 : i32
      %mul3A_219 = arith.constant 128 : i32
      %mul3A_220 = arith.muli %add3A_218, %mul3A_219 : i32
      %add3A_221 = arith.constant 16 : i32
      %add3A_222 = arith.addi %mul3A_220, %add3A_221 : i32
      %swap3A_223 = arith.index_cast %add3A_222 : i32 to index
      %swap3A_224 = tpu.vector_load %arg6[%swap3A_223] {strides = array<i32>} : memref<32768xf32, #tpu.memory_space<vmem>>, vector<16xf32>,
      %swap3A_225 = vector.shape_cast %swap3A_224 : vector<16xf32> to vector<16xf32>
      %swap3A_226 = vector.shape_cast %get3A_28 : vector<16xf32> to vector<16xf32>
      tpu.vector_store %arg6[%swap3A_223], %swap3A_226 {strides = array<i32>} : memref<32768xf32, #tpu.memory_space<vmem>>, vector<16xf32>,
      %mul3A_227 = arith.constant 2 : i32
      %mul3A_228 = arith.muli %mul3A_227, %scan3A_106 : i32
      %add3A_229 = arith.constant 1 : i32
      %add3A_230 = arith.addi %mul3A_228, %add3A_229 : i32
      %mul3A_231 = arith.constant 128 : i32
      %mul3A_232 = arith.muli %add3A_230, %mul3A_231 : i32
      %add3A_233 = arith.constant 32 : i32
      %add3A_234 = arith.addi %mul3A_232, %add3A_233 : i32
      %swap3A_235 = arith.index_cast %add3A_234 : i32 to index
      %swap3A_236 = tpu.vector_load %arg6[%swap3A_235] {strides = array<i32>} : memref<32768xf32, #tpu.memory_space<vmem>>, vector<16xf32>,
      %swap3A_237 = vector.shape_cast %swap3A_236 : vector<16xf32> to vector<16xf32>
      %swap3A_238 = vector.shape_cast %get3A_33 : vector<16xf32> to vector<16xf32>
      tpu.vector_store %arg6[%swap3A_235], %swap3A_238 {strides = array<i32>} : memref<32768xf32, #tpu.memory_space<vmem>>, vector<16xf32>,
      %mul3A_239 = arith.constant 2 : i32
      %mul3A_240 = arith.muli %mul3A_239, %scan3A_106 : i32
      %add3A_241 = arith.constant 1 : i32
      %add3A_242 = arith.addi %mul3A_240, %add3A_241 : i32
      %mul3A_243 = arith.constant 128 : i32
      %mul3A_244 = arith.muli %add3A_242, %mul3A_243 : i32
      %add3A_245 = arith.constant 48 : i32
      %add3A_246 = arith.addi %mul3A_244, %add3A_245 : i32
      %swap3A_247 = arith.index_cast %add3A_246 : i32 to index
      %swap3A_248 = tpu.vector_load %arg6[%swap3A_247] {strides = array<i32>} : memref<32768xf32, #tpu.memory_space<vmem>>, vector<16xf32>,
      %swap3A_249 = vector.shape_cast %swap3A_248 : vector<16xf32> to vector<16xf32>
      %swap3A_250 = vector.shape_cast %get3A_38 : vector<16xf32> to vector<16xf32>
      tpu.vector_store %arg6[%swap3A_247], %swap3A_250 {strides = array<i32>} : memref<32768xf32, #tpu.memory_space<vmem>>, vector<16xf32>,
      %mul3A_251 = arith.constant 2 : i32
      %mul3A_252 = arith.muli %mul3A_251, %scan3A_106 : i32
      %add3A_253 = arith.constant 1 : i32
      %add3A_254 = arith.addi %mul3A_252, %add3A_253 : i32
      %mul3A_255 = arith.constant 128 : i32
      %mul3A_256 = arith.muli %add3A_254, %mul3A_255 : i32
      %add3A_257 = arith.constant 64 : i32
      %add3A_258 = arith.addi %mul3A_256, %add3A_257 : i32
      %swap3A_259 = arith.index_cast %add3A_258 : i32 to index
      %swap3A_260 = tpu.vector_load %arg6[%swap3A_259] {strides = array<i32>} : memref<32768xf32, #tpu.memory_space<vmem>>, vector<16xf32>,
      %swap3A_261 = vector.shape_cast %swap3A_260 : vector<16xf32> to vector<16xf32>
      %swap3A_262 = vector.shape_cast %get3A_43 : vector<16xf32> to vector<16xf32>
      tpu.vector_store %arg6[%swap3A_259], %swap3A_262 {strides = array<i32>} : memref<32768xf32, #tpu.memory_space<vmem>>, vector<16xf32>,
      %mul3A_263 = arith.constant 2 : i32
      %mul3A_264 = arith.muli %mul3A_263, %scan3A_106 : i32
      %add3A_265 = arith.constant 1 : i32
      %add3A_266 = arith.addi %mul3A_264, %add3A_265 : i32
      %mul3A_267 = arith.constant 128 : i32
      %mul3A_268 = arith.muli %add3A_266, %mul3A_267 : i32
      %add3A_269 = arith.constant 80 : i32
      %add3A_270 = arith.addi %mul3A_268, %add3A_269 : i32
      %swap3A_271 = arith.index_cast %add3A_270 : i32 to index
      %swap3A_272 = tpu.vector_load %arg6[%swap3A_271] {strides = array<i32>} : memref<32768xf32, #tpu.memory_space<vmem>>, vector<16xf32>,
      %swap3A_273 = vector.shape_cast %swap3A_272 : vector<16xf32> to vector<16xf32>
      %swap3A_274 = vector.shape_cast %get3A_48 : vector<16xf32> to vector<16xf32>
      tpu.vector_store %arg6[%swap3A_271], %swap3A_274 {strides = array<i32>} : memref<32768xf32, #tpu.memory_space<vmem>>, vector<16xf32>,
      %mul3A_275 = arith.constant 2 : i32
      %mul3A_276 = arith.muli %mul3A_275, %scan3A_106 : i32
      %add3A_277 = arith.constant 1 : i32
      %add3A_278 = arith.addi %mul3A_276, %add3A_277 : i32
      %mul3A_279 = arith.constant 128 : i32
      %mul3A_280 = arith.muli %add3A_278, %mul3A_279 : i32
      %add3A_281 = arith.constant 96 : i32
      %add3A_282 = arith.addi %mul3A_280, %add3A_281 : i32
      %swap3A_283 = arith.index_cast %add3A_282 : i32 to index
      %swap3A_284 = tpu.vector_load %arg6[%swap3A_283] {strides = array<i32>} : memref<32768xf32, #tpu.memory_space<vmem>>, vector<16xf32>,
      %swap3A_285 = vector.shape_cast %swap3A_284 : vector<16xf32> to vector<16xf32>
      %swap3A_286 = vector.shape_cast %get3A_53 : vector<16xf32> to vector<16xf32>
      tpu.vector_store %arg6[%swap3A_283], %swap3A_286 {strides = array<i32>} : memref<32768xf32, #tpu.memory_space<vmem>>, vector<16xf32>,
      %mul3A_287 = arith.constant 2 : i32
      %mul3A_288 = arith.muli %mul3A_287, %scan3A_106 : i32
      %add3A_289 = arith.constant 1 : i32
      %add3A_290 = arith.addi %mul3A_288, %add3A_289 : i32
      %mul3A_291 = arith.constant 128 : i32
      %mul3A_292 = arith.muli %add3A_290, %mul3A_291 : i32
      %add3A_293 = arith.constant 112 : i32
      %add3A_294 = arith.addi %mul3A_292, %add3A_293 : i32
      %swap3A_295 = arith.index_cast %add3A_294 : i32 to index
      %swap3A_296 = tpu.vector_load %arg6[%swap3A_295] {strides = array<i32>} : memref<32768xf32, #tpu.memory_space<vmem>>, vector<16xf32>,
      %swap3A_297 = vector.shape_cast %swap3A_296 : vector<16xf32> to vector<16xf32>
      %swap3A_298 = vector.shape_cast %get3A_58 : vector<16xf32> to vector<16xf32>
      tpu.vector_store %arg6[%swap3A_295], %swap3A_298 {strides = array<i32>} : memref<32768xf32, #tpu.memory_space<vmem>>, vector<16xf32>,
    }
    %scan3A_63 = arith.constant 128 : i32
    %add3A_64 = arith.constant 16 : i32
    %add3A_65 = arith.addi %mul3A_2, %add3A_64 : i32
    %dma_wait3A_66 = arith.constant 16 : i32
    %dma_wait3A_67 = tpu.memref_slice %arg5[%dma_wait3A_66] : memref<16400xi32, #tpu.memory_space<vmem>> -> memref<16368xi32, #tpu.memory_space<vmem>>
    %dma_wait3A_68 = tpu.memref_slice %arg3[%add3A_65] : memref<524288xi32, #tpu.memory_space<hbm>> -> memref<16368xi32, #tpu.memory_space<hbm>>
    %dma_wait3A_69 = arith.constant 16 : i32
    %dma_wait3A_70 = tpu.memref_slice %arg5[%dma_wait3A_69] : memref<16400xi32, #tpu.memory_space<vmem>> -> memref<16368xi32, #tpu.memory_space<vmem>>
    %dma_wait3A_71 = tpu.memref_slice %arg3[%add3A_65] : memref<524288xi32, #tpu.memory_space<hbm>> -> memref<16368xi32, #tpu.memory_space<hbm>>
    tpu.wait_dma2 semaphore(%arg14 : memref<!tpu.dma_semaphore, #tpu.memory_space<semaphore_mem>>) src(%dma_wait3A_71 : memref<16368xi32, #tpu.memory_space<hbm>>) dst(%dma_wait3A_70 : memref<16368xi32, #tpu.memory_space<vmem>>)
    %broadcast_in_dim3A_72 = arith.constant 32 : i32
    %broadcast_in_dim3A_73 = vector.broadcast %broadcast_in_dim3A_72 : i32 to vector<16xi32>
    %swap3A = arith.constant 16384 : index
    %swap3A_74 = tpu.vector_load %arg5[%swap3A] {strides = array<i32>} : memref<16400xi32, #tpu.memory_space<vmem>>, vector<16xi32>,
    %swap3A_75 = vector.shape_cast %swap3A_74 : vector<16xi32> to vector<16xi32>
    %swap3A_76 = vector.shape_cast %broadcast_in_dim3A_73 : vector<16xi32> to vector<16xi32>
    tpu.vector_store %arg5[%swap3A], %swap3A_76 {strides = array<i32>} : memref<16400xi32, #tpu.memory_space<vmem>>, vector<16xi32>,
    %scan3A_77 = arith.constant 0 : i32
    %scan3A_78 = arith.constant 0 : i32
    %scan3A_79 = arith.constant 0 : i32
    %scan3A_80 = arith.constant 0 : i32
    %scan3A_81 = arith.constant 0 : i32
    %scan3A_82 = arith.constant 32 : i32
    %scan3A_83 = arith.addi %scan3A_81, %scan3A_82 : i32
    %scan3A_84 = arith.constant 1 : i32
    %scan3A_85:4 = scf.for %scan3A_106 = %scan3A_81 to %scan3A_83 step %scan3A_84 iter_args(%scan3A_107 = %scan3A_77, %scan3A_108 = %scan3A_78, %scan3A_109 = %scan3A_79, %scan3A_110 = %scan3A_80) -> (i32, i32, i32, i32)  : i32 {
      %lt3A = arith.constant 16384 : i32
      %lt3A_111 = arith.cmpi slt, %scan3A_107, %lt3A : i32
      %convert_element_type3A = arith.extui %lt3A_111 : i1 to i32
      %cond3A = arith.constant 0 : i32
      %cond3A_112 = arith.cmpi ne, %convert_element_type3A, %cond3A : i32
      %cond3A_113:4 = scf.if %cond3A_112 -> (i32, i32, i32, i32) {
        %get3A_114 = arith.index_cast %scan3A_107 : i32 to index
        %get3A_115 = tpu.vector_load %arg5[%get3A_114] {strides = array<i32>} : memref<16400xi32, #tpu.memory_space<vmem>>, vector<16xi32>,
        %get3A_116 = vector.shape_cast %get3A_115 : vector<16xi32> to vector<16xi32>
        %slice3A_117 = vector.extract_strided_slice %get3A_116 {offsets = [0], sizes = [1], strides = [1]} : vector<16xi32> to vector<1xi32>
        %squeeze3A_118 = vector.extract %slice3A_117[0] : i32 from vector<1xi32>
        %jit3A = arith.constant 16 : i32
        %div3A = arith.divsi %scan3A_107, %jit3A : i32
        %sign3A = arith.constant 0 : i32
        %sign3A_119 = arith.cmpi sgt, %scan3A_107, %sign3A : i32
        %sign3A_120 = arith.extui %sign3A_119 : i1 to i32
        %sign3A_121 = arith.constant 0 : i32
        %sign3A_122 = arith.cmpi slt, %scan3A_107, %sign3A_121 : i32
        %sign3A_123 = arith.extui %sign3A_122 : i1 to i32
        %sign3A_124 = arith.subi %sign3A_120, %sign3A_123 : i32
        %sign3A_125 = arith.constant 0 : i32
        %sign3A_126 = arith.cmpi sgt, %jit3A, %sign3A_125 : i32
        %sign3A_127 = arith.extui %sign3A_126 : i1 to i32
        %sign3A_128 = arith.constant 0 : i32
        %sign3A_129 = arith.cmpi slt, %jit3A, %sign3A_128 : i32
        %sign3A_130 = arith.extui %sign3A_129 : i1 to i32
        %sign3A_131 = arith.subi %sign3A_127, %sign3A_130 : i32
        %ne3A = arith.cmpi ne, %sign3A_124, %sign3A_131 : i32
        %rem3A = arith.remsi %scan3A_107, %jit3A : i32
        %ne3A_132 = arith.constant 0 : i32
        %ne3A_133 = arith.cmpi ne, %rem3A, %ne3A_132 : i32
        %and3A = arith.andi %ne3A, %ne3A_133 : i1
        %sub3A = arith.constant 1 : i32
        %sub3A_134 = arith.subi %div3A, %sub3A : i32
        %select_n3A = arith.select %and3A, %sub3A_134, %div3A : i32
        %scan3A_135 = arith.constant 1024 : i32
        %scan3A_136 = arith.constant 0 : i32
        %scan3A_137 = arith.constant 11 : i32
        %scan3A_138 = arith.addi %scan3A_136, %scan3A_137 : i32
        %scan3A_139 = arith.constant 1 : i32
        %scan3A_140:2 = scf.for %scan3A_269 = %scan3A_136 to %scan3A_138 step %scan3A_139 iter_args(%scan3A_270 = %select_n3A, %scan3A_271 = %scan3A_135) -> (i32, i32)  : i32 {
          %add3A_272 = arith.addi %scan3A_270, %scan3A_271 : i32
          %jit3A_273 = arith.constant 2 : i32
          %div3A_274 = arith.divsi %add3A_272, %jit3A_273 : i32
          %sign3A_275 = arith.constant 0 : i32
          %sign3A_276 = arith.cmpi sgt, %add3A_272, %sign3A_275 : i32
          %sign3A_277 = arith.extui %sign3A_276 : i1 to i32
          %sign3A_278 = arith.constant 0 : i32
          %sign3A_279 = arith.cmpi slt, %add3A_272, %sign3A_278 : i32
          %sign3A_280 = arith.extui %sign3A_279 : i1 to i32
          %sign3A_281 = arith.subi %sign3A_277, %sign3A_280 : i32
          %sign3A_282 = arith.constant 0 : i32
          %sign3A_283 = arith.cmpi sgt, %jit3A_273, %sign3A_282 : i32
          %sign3A_284 = arith.extui %sign3A_283 : i1 to i32
          %sign3A_285 = arith.constant 0 : i32
          %sign3A_286 = arith.cmpi slt, %jit3A_273, %sign3A_285 : i32
          %sign3A_287 = arith.extui %sign3A_286 : i1 to i32
          %sign3A_288 = arith.subi %sign3A_284, %sign3A_287 : i32
          %ne3A_289 = arith.cmpi ne, %sign3A_281, %sign3A_288 : i32
          %rem3A_290 = arith.remsi %add3A_272, %jit3A_273 : i32
          %ne3A_291 = arith.constant 0 : i32
          %ne3A_292 = arith.cmpi ne, %rem3A_290, %ne3A_291 : i32
          %and3A_293 = arith.andi %ne3A_289, %ne3A_292 : i1
          %sub3A_294 = arith.constant 1 : i32
          %sub3A_295 = arith.subi %div3A_274, %sub3A_294 : i32
          %select_n3A_296 = arith.select %and3A_293, %sub3A_295, %div3A_274 : i32
          %mul3A_297 = arith.constant 16 : i32
          %mul3A_298 = arith.muli %mul3A_297, %select_n3A_296 : i32
          %get3A_299 = arith.index_cast %mul3A_298 : i32 to index
          %get3A_300 = tpu.vector_load %arg5[%get3A_299] {strides = array<i32>} : memref<16400xi32, #tpu.memory_space<vmem>>, vector<16xi32>,
          %get3A_301 = vector.shape_cast %get3A_300 : vector<16xi32> to vector<16xi32>
          %slice3A_302 = vector.extract_strided_slice %get3A_301 {offsets = [0], sizes = [1], strides = [1]} : vector<16xi32> to vector<1xi32>
          %squeeze3A_303 = vector.extract %slice3A_302[0] : i32 from vector<1xi32>
          %gt3A = arith.cmpi sgt, %squeeze3A_303, %squeeze3A_118 : i32
          %select_n3A_304 = arith.select %gt3A, %scan3A_270, %select_n3A_296 : i32
          %select_n3A_305 = arith.select %gt3A, %select_n3A_296, %scan3A_271 : i32
          scf.yield %select_n3A_304, %select_n3A_305 : i32, i32
        }
        %scan3A_141 = arith.constant 11 : i32
        %mul3A_142 = arith.constant 16 : i32
        %mul3A_143 = arith.muli %mul3A_142, %scan3A_140#0 : i32
        %get3A_144 = arith.index_cast %mul3A_143 : i32 to index
        %get3A_145 = tpu.vector_load %arg5[%get3A_144] {strides = array<i32>} : memref<16400xi32, #tpu.memory_space<vmem>>, vector<16xi32>,
        %get3A_146 = vector.shape_cast %get3A_145 : vector<16xi32> to vector<16xi32>
        %slice3A_147 = vector.extract_strided_slice %get3A_146 {offsets = [0], sizes = [1], strides = [1]} : vector<16xi32> to vector<1xi32>
        %squeeze3A_148 = vector.extract %slice3A_147[0] : i32 from vector<1xi32>
        %le3A = arith.cmpi sle, %squeeze3A_148, %squeeze3A_118 : i32
        %jit3A_149 = arith.constant 1 : i32
        %jit3A_150 = arith.constant 0 : i32
        %select_n3A_151 = arith.select %le3A, %jit3A_149, %jit3A_150 : i32
        %add3A_152 = arith.constant 0 : i32
        %add3A_153 = arith.addi %add3A_152, %select_n3A_151 : i32
        %slice3A_154 = vector.extract_strided_slice %get3A_146 {offsets = [1], sizes = [1], strides = [1]} : vector<16xi32> to vector<1xi32>
        %squeeze3A_155 = vector.extract %slice3A_154[0] : i32 from vector<1xi32>
        %le3A_156 = arith.cmpi sle, %squeeze3A_155, %squeeze3A_118 : i32
        %jit3A_157 = arith.constant 1 : i32
        %jit3A_158 = arith.constant 0 : i32
        %select_n3A_159 = arith.select %le3A_156, %jit3A_157, %jit3A_158 : i32
        %add3A_160 = arith.addi %add3A_153, %select_n3A_159 : i32
        %slice3A_161 = vector.extract_strided_slice %get3A_146 {offsets = [2], sizes = [1], strides = [1]} : vector<16xi32> to vector<1xi32>
        %squeeze3A_162 = vector.extract %slice3A_161[0] : i32 from vector<1xi32>
        %le3A_163 = arith.cmpi sle, %squeeze3A_162, %squeeze3A_118 : i32
        %jit3A_164 = arith.constant 1 : i32
        %jit3A_165 = arith.constant 0 : i32
        %select_n3A_166 = arith.select %le3A_163, %jit3A_164, %jit3A_165 : i32
        %add3A_167 = arith.addi %add3A_160, %select_n3A_166 : i32
        %slice3A_168 = vector.extract_strided_slice %get3A_146 {offsets = [3], sizes = [1], strides = [1]} : vector<16xi32> to vector<1xi32>
        %squeeze3A_169 = vector.extract %slice3A_168[0] : i32 from vector<1xi32>
        %le3A_170 = arith.cmpi sle, %squeeze3A_169, %squeeze3A_118 : i32
        %jit3A_171 = arith.constant 1 : i32
        %jit3A_172 = arith.constant 0 : i32
        %select_n3A_173 = arith.select %le3A_170, %jit3A_171, %jit3A_172 : i32
        %add3A_174 = arith.addi %add3A_167, %select_n3A_173 : i32
        %slice3A_175 = vector.extract_strided_slice %get3A_146 {offsets = [4], sizes = [1], strides = [1]} : vector<16xi32> to vector<1xi32>
        %squeeze3A_176 = vector.extract %slice3A_175[0] : i32 from vector<1xi32>
        %le3A_177 = arith.cmpi sle, %squeeze3A_176, %squeeze3A_118 : i32
        %jit3A_178 = arith.constant 1 : i32
        %jit3A_179 = arith.constant 0 : i32
        %select_n3A_180 = arith.select %le3A_177, %jit3A_178, %jit3A_179 : i32
        %add3A_181 = arith.addi %add3A_174, %select_n3A_180 : i32
        %slice3A_182 = vector.extract_strided_slice %get3A_146 {offsets = [5], sizes = [1], strides = [1]} : vector<16xi32> to vector<1xi32>
        %squeeze3A_183 = vector.extract %slice3A_182[0] : i32 from vector<1xi32>
        %le3A_184 = arith.cmpi sle, %squeeze3A_183, %squeeze3A_118 : i32
        %jit3A_185 = arith.constant 1 : i32
        %jit3A_186 = arith.constant 0 : i32
        %select_n3A_187 = arith.select %le3A_184, %jit3A_185, %jit3A_186 : i32
        %add3A_188 = arith.addi %add3A_181, %select_n3A_187 : i32
        %slice3A_189 = vector.extract_strided_slice %get3A_146 {offsets = [6], sizes = [1], strides = [1]} : vector<16xi32> to vector<1xi32>
        %squeeze3A_190 = vector.extract %slice3A_189[0] : i32 from vector<1xi32>
        %le3A_191 = arith.cmpi sle, %squeeze3A_190, %squeeze3A_118 : i32
        %jit3A_192 = arith.constant 1 : i32
        %jit3A_193 = arith.constant 0 : i32
        %select_n3A_194 = arith.select %le3A_191, %jit3A_192, %jit3A_193 : i32
        %add3A_195 = arith.addi %add3A_188, %select_n3A_194 : i32
        %slice3A_196 = vector.extract_strided_slice %get3A_146 {offsets = [7], sizes = [1], strides = [1]} : vector<16xi32> to vector<1xi32>
        %squeeze3A_197 = vector.extract %slice3A_196[0] : i32 from vector<1xi32>
        %le3A_198 = arith.cmpi sle, %squeeze3A_197, %squeeze3A_118 : i32
        %jit3A_199 = arith.constant 1 : i32
        %jit3A_200 = arith.constant 0 : i32
        %select_n3A_201 = arith.select %le3A_198, %jit3A_199, %jit3A_200 : i32
        %add3A_202 = arith.addi %add3A_195, %select_n3A_201 : i32
        %slice3A_203 = vector.extract_strided_slice %get3A_146 {offsets = [8], sizes = [1], strides = [1]} : vector<16xi32> to vector<1xi32>
        %squeeze3A_204 = vector.extract %slice3A_203[0] : i32 from vector<1xi32>
        %le3A_205 = arith.cmpi sle, %squeeze3A_204, %squeeze3A_118 : i32
        %jit3A_206 = arith.constant 1 : i32
        %jit3A_207 = arith.constant 0 : i32
        %select_n3A_208 = arith.select %le3A_205, %jit3A_206, %jit3A_207 : i32
        %add3A_209 = arith.addi %add3A_202, %select_n3A_208 : i32
        %slice3A_210 = vector.extract_strided_slice %get3A_146 {offsets = [9], sizes = [1], strides = [1]} : vector<16xi32> to vector<1xi32>
        %squeeze3A_211 = vector.extract %slice3A_210[0] : i32 from vector<1xi32>
        %le3A_212 = arith.cmpi sle, %squeeze3A_211, %squeeze3A_118 : i32
        %jit3A_213 = arith.constant 1 : i32
        %jit3A_214 = arith.constant 0 : i32
        %select_n3A_215 = arith.select %le3A_212, %jit3A_213, %jit3A_214 : i32
        %add3A_216 = arith.addi %add3A_209, %select_n3A_215 : i32
        %slice3A_217 = vector.extract_strided_slice %get3A_146 {offsets = [10], sizes = [1], strides = [1]} : vector<16xi32> to vector<1xi32>
        %squeeze3A_218 = vector.extract %slice3A_217[0] : i32 from vector<1xi32>
        %le3A_219 = arith.cmpi sle, %squeeze3A_218, %squeeze3A_118 : i32
        %jit3A_220 = arith.constant 1 : i32
        %jit3A_221 = arith.constant 0 : i32
        %select_n3A_222 = arith.select %le3A_219, %jit3A_220, %jit3A_221 : i32
        %add3A_223 = arith.addi %add3A_216, %select_n3A_222 : i32
        %slice3A_224 = vector.extract_strided_slice %get3A_146 {offsets = [11], sizes = [1], strides = [1]} : vector<16xi32> to vector<1xi32>
        %squeeze3A_225 = vector.extract %slice3A_224[0] : i32 from vector<1xi32>
        %le3A_226 = arith.cmpi sle, %squeeze3A_225, %squeeze3A_118 : i32
        %jit3A_227 = arith.constant 1 : i32
        %jit3A_228 = arith.constant 0 : i32
        %select_n3A_229 = arith.select %le3A_226, %jit3A_227, %jit3A_228 : i32
        %add3A_230 = arith.addi %add3A_223, %select_n3A_229 : i32
        %slice3A_231 = vector.extract_strided_slice %get3A_146 {offsets = [12], sizes = [1], strides = [1]} : vector<16xi32> to vector<1xi32>
        %squeeze3A_232 = vector.extract %slice3A_231[0] : i32 from vector<1xi32>
        %le3A_233 = arith.cmpi sle, %squeeze3A_232, %squeeze3A_118 : i32
        %jit3A_234 = arith.constant 1 : i32
        %jit3A_235 = arith.constant 0 : i32
        %select_n3A_236 = arith.select %le3A_233, %jit3A_234, %jit3A_235 : i32
        %add3A_237 = arith.addi %add3A_230, %select_n3A_236 : i32
        %slice3A_238 = vector.extract_strided_slice %get3A_146 {offsets = [13], sizes = [1], strides = [1]} : vector<16xi32> to vector<1xi32>
        %squeeze3A_239 = vector.extract %slice3A_238[0] : i32 from vector<1xi32>
        %le3A_240 = arith.cmpi sle, %squeeze3A_239, %squeeze3A_118 : i32
        %jit3A_241 = arith.constant 1 : i32
        %jit3A_242 = arith.constant 0 : i32
        %select_n3A_243 = arith.select %le3A_240, %jit3A_241, %jit3A_242 : i32
        %add3A_244 = arith.addi %add3A_237, %select_n3A_243 : i32
        %slice3A_245 = vector.extract_strided_slice %get3A_146 {offsets = [14], sizes = [1], strides = [1]} : vector<16xi32> to vector<1xi32>
        %squeeze3A_246 = vector.extract %slice3A_245[0] : i32 from vector<1xi32>
        %le3A_247 = arith.cmpi sle, %squeeze3A_246, %squeeze3A_118 : i32
        %jit3A_248 = arith.constant 1 : i32
        %jit3A_249 = arith.constant 0 : i32
        %select_n3A_250 = arith.select %le3A_247, %jit3A_248, %jit3A_249 : i32
        %add3A_251 = arith.addi %add3A_244, %select_n3A_250 : i32
        %slice3A_252 = vector.extract_strided_slice %get3A_146 {offsets = [15], sizes = [1], strides = [1]} : vector<16xi32> to vector<1xi32>
        %squeeze3A_253 = vector.extract %slice3A_252[0] : i32 from vector<1xi32>
        %le3A_254 = arith.cmpi sle, %squeeze3A_253, %squeeze3A_118 : i32
        %jit3A_255 = arith.constant 1 : i32
        %jit3A_256 = arith.constant 0 : i32
        %select_n3A_257 = arith.select %le3A_254, %jit3A_255, %jit3A_256 : i32
        %add3A_258 = arith.addi %add3A_251, %select_n3A_257 : i32
        %mul3A_259 = arith.constant 16 : i32
        %mul3A_260 = arith.muli %mul3A_259, %scan3A_140#0 : i32
        %add3A_261 = arith.addi %mul3A_260, %add3A_258 : i32
        %eq3A = arith.constant 0 : i32
        %eq3A_262 = arith.cmpi eq, %scan3A_108, %eq3A : i32
        %convert_element_type3A_263 = arith.extui %eq3A_262 : i1 to i32
        %cond3A_264 = arith.constant 0 : i32
        %cond3A_265 = arith.cmpi ne, %convert_element_type3A_263, %cond3A_264 : i32
        %cond3A_266:2 = scf.if %cond3A_265 -> (i32, i32) {
          %while3A_269 = arith.constant 0 : i32
          %while3A_270 = arith.constant 0 : i32
          %while3A_271 = arith.subi %scan3A_109, %while3A_270 : i32
          %while3A_272 = arith.addi %while3A_270, %while3A_271 : i32
          %while3A_273 = arith.constant 1 : i32
          %while3A_274 = arith.divsi %while3A_271, %while3A_273 : i32
          %while3A_275 = arith.muli %while3A_274, %while3A_273 : i32
          %while3A_276 = arith.addi %while3A_270, %while3A_275 : i32
          %while3A_277 = arith.constant 1 : i32
          scf.for %while3A_299 = %while3A_270 to %while3A_276 step %while3A_277  : i32 {
            %mul3A_300 = arith.constant 128 : i32
            %mul3A_301 = arith.muli %mul3A_2, %mul3A_300 : i32
            %dma_wait3A_302 = tpu.memref_slice %arg4[%mul3A_301] : memref<67108864xf32, #tpu.memory_space<hbm>> -> memref<32768xf32, #tpu.memory_space<hbm>>
            %dma_wait3A_303 = tpu.memref_slice %arg4[%mul3A_301] : memref<67108864xf32, #tpu.memory_space<hbm>> -> memref<32768xf32, #tpu.memory_space<hbm>>
            tpu.wait_dma2 semaphore(%arg12 : memref<!tpu.dma_semaphore, #tpu.memory_space<semaphore_mem>>) src(%arg6 : memref<32768xf32, #tpu.memory_space<vmem>>) dst(%dma_wait3A_303 : memref<32768xf32, #tpu.memory_space<hbm>>)
          }
          %while3A_278 = arith.constant 1 : i32
          scf.for %while3A_299 = %while3A_276 to %while3A_272 step %while3A_278  : i32 {
            %mul3A_300 = arith.constant 128 : i32
            %mul3A_301 = arith.muli %mul3A_2, %mul3A_300 : i32
            %dma_wait3A_302 = tpu.memref_slice %arg4[%mul3A_301] : memref<67108864xf32, #tpu.memory_space<hbm>> -> memref<32768xf32, #tpu.memory_space<hbm>>
            %dma_wait3A_303 = tpu.memref_slice %arg4[%mul3A_301] : memref<67108864xf32, #tpu.memory_space<hbm>> -> memref<32768xf32, #tpu.memory_space<hbm>>
            tpu.wait_dma2 semaphore(%arg12 : memref<!tpu.dma_semaphore, #tpu.memory_space<semaphore_mem>>) src(%arg6 : memref<32768xf32, #tpu.memory_space<vmem>>) dst(%dma_wait3A_303 : memref<32768xf32, #tpu.memory_space<hbm>>)
          }
          %gt3A = arith.constant 0 : i32
          %gt3A_279 = arith.cmpi sgt, %scan3A_107, %gt3A : i32
          %convert_element_type3A_280 = arith.extui %gt3A_279 : i1 to i32
          %cond3A_281 = arith.constant 0 : i32
          %cond3A_282 = arith.constant 0 : i32
          %cond3A_283 = arith.cmpi ne, %convert_element_type3A_280, %cond3A_282 : i32
          %cond3A_284 = scf.if %cond3A_283 -> (i32) {
            %broadcast_in_dim3A_299 = arith.constant 0 : i32
            %broadcast_in_dim3A_300 = vector.broadcast %broadcast_in_dim3A_299 : i32 to vector<16xi32>
            %dma_wait3A_301 = arith.constant 0 : i32
            %dma_wait3A_302 = arith.constant 0 : i32
            %dma_wait3A_303 = tpu.memref_slice %arg2[%dma_wait3A_301, %dma_wait3A_302] : memref<32x128xf32, #tpu.memory_space<hbm>> -> memref<32x128xf32, #tpu.memory_space<hbm>>
            tpu.wait_indirect_dma semaphore(%arg10 : memref<!tpu.dma_semaphore, #tpu.memory_space<semaphore_mem>>) src(%dma_wait3A_303 : memref<32x128xf32, #tpu.memory_space<hbm>>) dst(%arg8 : memref<16x128xf32, #tpu.memory_space<vmem>>)
            %get3A_304 = arith.constant 0 : i32
            %get3A_305 = arith.index_cast %get3A_304 : i32 to index
            %get3A_306 = arith.constant 0 : index
            %get3A_307 = tpu.vector_load %arg8[%get3A_305, %get3A_306] {strides = array<i32>} : memref<16x128xf32, #tpu.memory_space<vmem>>, vector<1x16xf32>,
            %get3A_308 = vector.shape_cast %get3A_307 : vector<1x16xf32> to vector<16xf32>
            %get3A_309 = arith.constant 0 : i32
            %get3A_310 = arith.index_cast %get3A_309 : i32 to index
            %get3A_311 = arith.constant 16 : index
            %get3A_312 = tpu.vector_load %arg8[%get3A_310, %get3A_311] {strides = array<i32>} : memref<16x128xf32, #tpu.memory_space<vmem>>, vector<1x16xf32>,
            %get3A_313 = vector.shape_cast %get3A_312 : vector<1x16xf32> to vector<16xf32>
            %get3A_314 = arith.constant 0 : i32
            %get3A_315 = arith.index_cast %get3A_314 : i32 to index
            %get3A_316 = arith.constant 32 : index
            %get3A_317 = tpu.vector_load %arg8[%get3A_315, %get3A_316] {strides = array<i32>} : memref<16x128xf32, #tpu.memory_space<vmem>>, vector<1x16xf32>,
            %get3A_318 = vector.shape_cast %get3A_317 : vector<1x16xf32> to vector<16xf32>
            %get3A_319 = arith.constant 0 : i32
            %get3A_320 = arith.index_cast %get3A_319 : i32 to index
            %get3A_321 = arith.constant 48 : index
            %get3A_322 = tpu.vector_load %arg8[%get3A_320, %get3A_321] {strides = array<i32>} : memref<16x128xf32, #tpu.memory_space<vmem>>, vector<1x16xf32>,
            %get3A_323 = vector.shape_cast %get3A_322 : vector<1x16xf32> to vector<16xf32>
            %get3A_324 = arith.constant 0 : i32
            %get3A_325 = arith.index_cast %get3A_324 : i32 to index
            %get3A_326 = arith.constant 64 : index
            %get3A_327 = tpu.vector_load %arg8[%get3A_325, %get3A_326] {strides = array<i32>} : memref<16x128xf32, #tpu.memory_space<vmem>>, vector<1x16xf32>,
            %get3A_328 = vector.shape_cast %get3A_327 : vector<1x16xf32> to vector<16xf32>
            %get3A_329 = arith.constant 0 : i32
            %get3A_330 = arith.index_cast %get3A_329 : i32 to index
            %get3A_331 = arith.constant 80 : index
            %get3A_332 = tpu.vector_load %arg8[%get3A_330, %get3A_331] {strides = array<i32>} : memref<16x128xf32, #tpu.memory_space<vmem>>, vector<1x16xf32>,
            %get3A_333 = vector.shape_cast %get3A_332 : vector<1x16xf32> to vector<16xf32>
            %get3A_334 = arith.constant 0 : i32
            %get3A_335 = arith.index_cast %get3A_334 : i32 to index
            %get3A_336 = arith.constant 96 : index
            %get3A_337 = tpu.vector_load %arg8[%get3A_335, %get3A_336] {strides = array<i32>} : memref<16x128xf32, #tpu.memory_space<vmem>>, vector<1x16xf32>,
            %get3A_338 = vector.shape_cast %get3A_337 : vector<1x16xf32> to vector<16xf32>
            %get3A_339 = arith.constant 0 : i32
            %get3A_340 = arith.index_cast %get3A_339 : i32 to index
            %get3A_341 = arith.constant 112 : index
            %get3A_342 = tpu.vector_load %arg8[%get3A_340, %get3A_341] {strides = array<i32>} : memref<16x128xf32, #tpu.memory_space<vmem>>, vector<1x16xf32>,
            %get3A_343 = vector.shape_cast %get3A_342 : vector<1x16xf32> to vector<16xf32>
            %scan3A_344 = arith.constant 0 : i32
            %scan3A_345 = arith.constant 0 : i32
            %scan3A_346 = arith.constant 128 : i32
            %scan3A_347 = arith.addi %scan3A_345, %scan3A_346 : i32
            %scan3A_348 = arith.constant 1 : i32
            scf.for %scan3A_351 = %scan3A_345 to %scan3A_347 step %scan3A_348  : i32 {
              %mul3A_352 = arith.constant 2 : i32
              %mul3A_353 = arith.muli %mul3A_352, %scan3A_351 : i32
              %add3A_354 = arith.constant 0 : i32
              %add3A_355 = arith.addi %mul3A_353, %add3A_354 : i32
              %mul3A_356 = arith.constant 128 : i32
              %mul3A_357 = arith.muli %add3A_355, %mul3A_356 : i32
              %add3A_358 = arith.constant 0 : i32
              %add3A_359 = arith.addi %mul3A_357, %add3A_358 : i32
              %swap3A_360 = arith.index_cast %add3A_359 : i32 to index
              %swap3A_361 = tpu.vector_load %arg6[%swap3A_360] {strides = array<i32>} : memref<32768xf32, #tpu.memory_space<vmem>>, vector<16xf32>,
              %swap3A_362 = vector.shape_cast %swap3A_361 : vector<16xf32> to vector<16xf32>
              %swap3A_363 = vector.shape_cast %get3A_308 : vector<16xf32> to vector<16xf32>
              tpu.vector_store %arg6[%swap3A_360], %swap3A_363 {strides = array<i32>} : memref<32768xf32, #tpu.memory_space<vmem>>, vector<16xf32>,
              %mul3A_364 = arith.constant 2 : i32
              %mul3A_365 = arith.muli %mul3A_364, %scan3A_351 : i32
              %add3A_366 = arith.constant 0 : i32
              %add3A_367 = arith.addi %mul3A_365, %add3A_366 : i32
              %mul3A_368 = arith.constant 128 : i32
              %mul3A_369 = arith.muli %add3A_367, %mul3A_368 : i32
              %add3A_370 = arith.constant 16 : i32
              %add3A_371 = arith.addi %mul3A_369, %add3A_370 : i32
              %swap3A_372 = arith.index_cast %add3A_371 : i32 to index
              %swap3A_373 = tpu.vector_load %arg6[%swap3A_372] {strides = array<i32>} : memref<32768xf32, #tpu.memory_space<vmem>>, vector<16xf32>,
              %swap3A_374 = vector.shape_cast %swap3A_373 : vector<16xf32> to vector<16xf32>
              %swap3A_375 = vector.shape_cast %get3A_313 : vector<16xf32> to vector<16xf32>
              tpu.vector_store %arg6[%swap3A_372], %swap3A_375 {strides = array<i32>} : memref<32768xf32, #tpu.memory_space<vmem>>, vector<16xf32>,
              %mul3A_376 = arith.constant 2 : i32
              %mul3A_377 = arith.muli %mul3A_376, %scan3A_351 : i32
              %add3A_378 = arith.constant 0 : i32
              %add3A_379 = arith.addi %mul3A_377, %add3A_378 : i32
              %mul3A_380 = arith.constant 128 : i32
              %mul3A_381 = arith.muli %add3A_379, %mul3A_380 : i32
              %add3A_382 = arith.constant 32 : i32
              %add3A_383 = arith.addi %mul3A_381, %add3A_382 : i32
              %swap3A_384 = arith.index_cast %add3A_383 : i32 to index
              %swap3A_385 = tpu.vector_load %arg6[%swap3A_384] {strides = array<i32>} : memref<32768xf32, #tpu.memory_space<vmem>>, vector<16xf32>,
              %swap3A_386 = vector.shape_cast %swap3A_385 : vector<16xf32> to vector<16xf32>
              %swap3A_387 = vector.shape_cast %get3A_318 : vector<16xf32> to vector<16xf32>
              tpu.vector_store %arg6[%swap3A_384], %swap3A_387 {strides = array<i32>} : memref<32768xf32, #tpu.memory_space<vmem>>, vector<16xf32>,
              %mul3A_388 = arith.constant 2 : i32
              %mul3A_389 = arith.muli %mul3A_388, %scan3A_351 : i32
              %add3A_390 = arith.constant 0 : i32
              %add3A_391 = arith.addi %mul3A_389, %add3A_390 : i32
              %mul3A_392 = arith.constant 128 : i32
              %mul3A_393 = arith.muli %add3A_391, %mul3A_392 : i32
              %add3A_394 = arith.constant 48 : i32
              %add3A_395 = arith.addi %mul3A_393, %add3A_394 : i32
              %swap3A_396 = arith.index_cast %add3A_395 : i32 to index
              %swap3A_397 = tpu.vector_load %arg6[%swap3A_396] {strides = array<i32>} : memref<32768xf32, #tpu.memory_space<vmem>>, vector<16xf32>,
              %swap3A_398 = vector.shape_cast %swap3A_397 : vector<16xf32> to vector<16xf32>
              %swap3A_399 = vector.shape_cast %get3A_323 : vector<16xf32> to vector<16xf32>
              tpu.vector_store %arg6[%swap3A_396], %swap3A_399 {strides = array<i32>} : memref<32768xf32, #tpu.memory_space<vmem>>, vector<16xf32>,
              %mul3A_400 = arith.constant 2 : i32
              %mul3A_401 = arith.muli %mul3A_400, %scan3A_351 : i32
              %add3A_402 = arith.constant 0 : i32
              %add3A_403 = arith.addi %mul3A_401, %add3A_402 : i32
              %mul3A_404 = arith.constant 128 : i32
              %mul3A_405 = arith.muli %add3A_403, %mul3A_404 : i32
              %add3A_406 = arith.constant 64 : i32
              %add3A_407 = arith.addi %mul3A_405, %add3A_406 : i32
              %swap3A_408 = arith.index_cast %add3A_407 : i32 to index
              %swap3A_409 = tpu.vector_load %arg6[%swap3A_408] {strides = array<i32>} : memref<32768xf32, #tpu.memory_space<vmem>>, vector<16xf32>,
              %swap3A_410 = vector.shape_cast %swap3A_409 : vector<16xf32> to vector<16xf32>
              %swap3A_411 = vector.shape_cast %get3A_328 : vector<16xf32> to vector<16xf32>
              tpu.vector_store %arg6[%swap3A_408], %swap3A_411 {strides = array<i32>} : memref<32768xf32, #tpu.memory_space<vmem>>, vector<16xf32>,
              %mul3A_412 = arith.constant 2 : i32
              %mul3A_413 = arith.muli %mul3A_412, %scan3A_351 : i32
              %add3A_414 = arith.constant 0 : i32
              %add3A_415 = arith.addi %mul3A_413, %add3A_414 : i32
              %mul3A_416 = arith.constant 128 : i32
              %mul3A_417 = arith.muli %add3A_415, %mul3A_416 : i32
              %add3A_418 = arith.constant 80 : i32
              %add3A_419 = arith.addi %mul3A_417, %add3A_418 : i32
              %swap3A_420 = arith.index_cast %add3A_419 : i32 to index
              %swap3A_421 = tpu.vector_load %arg6[%swap3A_420] {strides = array<i32>} : memref<32768xf32, #tpu.memory_space<vmem>>, vector<16xf32>,
              %swap3A_422 = vector.shape_cast %swap3A_421 : vector<16xf32> to vector<16xf32>
              %swap3A_423 = vector.shape_cast %get3A_333 : vector<16xf32> to vector<16xf32>
              tpu.vector_store %arg6[%swap3A_420], %swap3A_423 {strides = array<i32>} : memref<32768xf32, #tpu.memory_space<vmem>>, vector<16xf32>,
              %mul3A_424 = arith.constant 2 : i32
              %mul3A_425 = arith.muli %mul3A_424, %scan3A_351 : i32
              %add3A_426 = arith.constant 0 : i32
              %add3A_427 = arith.addi %mul3A_425, %add3A_426 : i32
              %mul3A_428 = arith.constant 128 : i32
              %mul3A_429 = arith.muli %add3A_427, %mul3A_428 : i32
              %add3A_430 = arith.constant 96 : i32
              %add3A_431 = arith.addi %mul3A_429, %add3A_430 : i32
              %swap3A_432 = arith.index_cast %add3A_431 : i32 to index
              %swap3A_433 = tpu.vector_load %arg6[%swap3A_432] {strides = array<i32>} : memref<32768xf32, #tpu.memory_space<vmem>>, vector<16xf32>,
              %swap3A_434 = vector.shape_cast %swap3A_433 : vector<16xf32> to vector<16xf32>
              %swap3A_435 = vector.shape_cast %get3A_338 : vector<16xf32> to vector<16xf32>
              tpu.vector_store %arg6[%swap3A_432], %swap3A_435 {strides = array<i32>} : memref<32768xf32, #tpu.memory_space<vmem>>, vector<16xf32>,
              %mul3A_436 = arith.constant 2 : i32
              %mul3A_437 = arith.muli %mul3A_436, %scan3A_351 : i32
              %add3A_438 = arith.constant 0 : i32
              %add3A_439 = arith.addi %mul3A_437, %add3A_438 : i32
              %mul3A_440 = arith.constant 128 : i32
              %mul3A_441 = arith.muli %add3A_439, %mul3A_440 : i32
              %add3A_442 = arith.constant 112 : i32
              %add3A_443 = arith.addi %mul3A_441, %add3A_442 : i32
              %swap3A_444 = arith.index_cast %add3A_443 : i32 to index
              %swap3A_445 = tpu.vector_load %arg6[%swap3A_444] {strides = array<i32>} : memref<32768xf32, #tpu.memory_space<vmem>>, vector<16xf32>,
              %swap3A_446 = vector.shape_cast %swap3A_445 : vector<16xf32> to vector<16xf32>
              %swap3A_447 = vector.shape_cast %get3A_343 : vector<16xf32> to vector<16xf32>
              tpu.vector_store %arg6[%swap3A_444], %swap3A_447 {strides = array<i32>} : memref<32768xf32, #tpu.memory_space<vmem>>, vector<16xf32>,
              %mul3A_448 = arith.constant 2 : i32
              %mul3A_449 = arith.muli %mul3A_448, %scan3A_351 : i32
              %add3A_450 = arith.constant 1 : i32
              %add3A_451 = arith.addi %mul3A_449, %add3A_450 : i32
              %mul3A_452 = arith.constant 128 : i32
              %mul3A_453 = arith.muli %add3A_451, %mul3A_452 : i32
              %add3A_454 = arith.constant 0 : i32
              %add3A_455 = arith.addi %mul3A_453, %add3A_454 : i32
              %swap3A_456 = arith.index_cast %add3A_455 : i32 to index
              %swap3A_457 = tpu.vector_load %arg6[%swap3A_456] {strides = array<i32>} : memref<32768xf32, #tpu.memory_space<vmem>>, vector<16xf32>,
              %swap3A_458 = vector.shape_cast %swap3A_457 : vector<16xf32> to vector<16xf32>
              %swap3A_459 = vector.shape_cast %get3A_308 : vector<16xf32> to vector<16xf32>
              tpu.vector_store %arg6[%swap3A_456], %swap3A_459 {strides = array<i32>} : memref<32768xf32, #tpu.memory_space<vmem>>, vector<16xf32>,
              %mul3A_460 = arith.constant 2 : i32
              %mul3A_461 = arith.muli %mul3A_460, %scan3A_351 : i32
              %add3A_462 = arith.constant 1 : i32
              %add3A_463 = arith.addi %mul3A_461, %add3A_462 : i32
              %mul3A_464 = arith.constant 128 : i32
              %mul3A_465 = arith.muli %add3A_463, %mul3A_464 : i32
              %add3A_466 = arith.constant 16 : i32
              %add3A_467 = arith.addi %mul3A_465, %add3A_466 : i32
              %swap3A_468 = arith.index_cast %add3A_467 : i32 to index
              %swap3A_469 = tpu.vector_load %arg6[%swap3A_468] {strides = array<i32>} : memref<32768xf32, #tpu.memory_space<vmem>>, vector<16xf32>,
              %swap3A_470 = vector.shape_cast %swap3A_469 : vector<16xf32> to vector<16xf32>
              %swap3A_471 = vector.shape_cast %get3A_313 : vector<16xf32> to vector<16xf32>
              tpu.vector_store %arg6[%swap3A_468], %swap3A_471 {strides = array<i32>} : memref<32768xf32, #tpu.memory_space<vmem>>, vector<16xf32>,
              %mul3A_472 = arith.constant 2 : i32
              %mul3A_473 = arith.muli %mul3A_472, %scan3A_351 : i32
              %add3A_474 = arith.constant 1 : i32
              %add3A_475 = arith.addi %mul3A_473, %add3A_474 : i32
              %mul3A_476 = arith.constant 128 : i32
              %mul3A_477 = arith.muli %add3A_475, %mul3A_476 : i32
              %add3A_478 = arith.constant 32 : i32
              %add3A_479 = arith.addi %mul3A_477, %add3A_478 : i32
              %swap3A_480 = arith.index_cast %add3A_479 : i32 to index
              %swap3A_481 = tpu.vector_load %arg6[%swap3A_480] {strides = array<i32>} : memref<32768xf32, #tpu.memory_space<vmem>>, vector<16xf32>,
              %swap3A_482 = vector.shape_cast %swap3A_481 : vector<16xf32> to vector<16xf32>
              %swap3A_483 = vector.shape_cast %get3A_318 : vector<16xf32> to vector<16xf32>
              tpu.vector_store %arg6[%swap3A_480], %swap3A_483 {strides = array<i32>} : memref<32768xf32, #tpu.memory_space<vmem>>, vector<16xf32>,
              %mul3A_484 = arith.constant 2 : i32
              %mul3A_485 = arith.muli %mul3A_484, %scan3A_351 : i32
              %add3A_486 = arith.constant 1 : i32
              %add3A_487 = arith.addi %mul3A_485, %add3A_486 : i32
              %mul3A_488 = arith.constant 128 : i32
              %mul3A_489 = arith.muli %add3A_487, %mul3A_488 : i32
              %add3A_490 = arith.constant 48 : i32
              %add3A_491 = arith.addi %mul3A_489, %add3A_490 : i32
              %swap3A_492 = arith.index_cast %add3A_491 : i32 to index
              %swap3A_493 = tpu.vector_load %arg6[%swap3A_492] {strides = array<i32>} : memref<32768xf32, #tpu.memory_space<vmem>>, vector<16xf32>,
              %swap3A_494 = vector.shape_cast %swap3A_493 : vector<16xf32> to vector<16xf32>
              %swap3A_495 = vector.shape_cast %get3A_323 : vector<16xf32> to vector<16xf32>
              tpu.vector_store %arg6[%swap3A_492], %swap3A_495 {strides = array<i32>} : memref<32768xf32, #tpu.memory_space<vmem>>, vector<16xf32>,
              %mul3A_496 = arith.constant 2 : i32
              %mul3A_497 = arith.muli %mul3A_496, %scan3A_351 : i32
              %add3A_498 = arith.constant 1 : i32
              %add3A_499 = arith.addi %mul3A_497, %add3A_498 : i32
              %mul3A_500 = arith.constant 128 : i32
              %mul3A_501 = arith.muli %add3A_499, %mul3A_500 : i32
              %add3A_502 = arith.constant 64 : i32
              %add3A_503 = arith.addi %mul3A_501, %add3A_502 : i32
              %swap3A_504 = arith.index_cast %add3A_503 : i32 to index
              %swap3A_505 = tpu.vector_load %arg6[%swap3A_504] {strides = array<i32>} : memref<32768xf32, #tpu.memory_space<vmem>>, vector<16xf32>,
              %swap3A_506 = vector.shape_cast %swap3A_505 : vector<16xf32> to vector<16xf32>
              %swap3A_507 = vector.shape_cast %get3A_328 : vector<16xf32> to vector<16xf32>
              tpu.vector_store %arg6[%swap3A_504], %swap3A_507 {strides = array<i32>} : memref<32768xf32, #tpu.memory_space<vmem>>, vector<16xf32>,
              %mul3A_508 = arith.constant 2 : i32
              %mul3A_509 = arith.muli %mul3A_508, %scan3A_351 : i32
              %add3A_510 = arith.constant 1 : i32
              %add3A_511 = arith.addi %mul3A_509, %add3A_510 : i32
              %mul3A_512 = arith.constant 128 : i32
              %mul3A_513 = arith.muli %add3A_511, %mul3A_512 : i32
              %add3A_514 = arith.constant 80 : i32
              %add3A_515 = arith.addi %mul3A_513, %add3A_514 : i32
              %swap3A_516 = arith.index_cast %add3A_515 : i32 to index
              %swap3A_517 = tpu.vector_load %arg6[%swap3A_516] {strides = array<i32>} : memref<32768xf32, #tpu.memory_space<vmem>>, vector<16xf32>,
              %swap3A_518 = vector.shape_cast %swap3A_517 : vector<16xf32> to vector<16xf32>
              %swap3A_519 = vector.shape_cast %get3A_333 : vector<16xf32> to vector<16xf32>
              tpu.vector_store %arg6[%swap3A_516], %swap3A_519 {strides = array<i32>} : memref<32768xf32, #tpu.memory_space<vmem>>, vector<16xf32>,
              %mul3A_520 = arith.constant 2 : i32
              %mul3A_521 = arith.muli %mul3A_520, %scan3A_351 : i32
              %add3A_522 = arith.constant 1 : i32
              %add3A_523 = arith.addi %mul3A_521, %add3A_522 : i32
              %mul3A_524 = arith.constant 128 : i32
              %mul3A_525 = arith.muli %add3A_523, %mul3A_524 : i32
              %add3A_526 = arith.constant 96 : i32
              %add3A_527 = arith.addi %mul3A_525, %add3A_526 : i32
              %swap3A_528 = arith.index_cast %add3A_527 : i32 to index
              %swap3A_529 = tpu.vector_load %arg6[%swap3A_528] {strides = array<i32>} : memref<32768xf32, #tpu.memory_space<vmem>>, vector<16xf32>,
              %swap3A_530 = vector.shape_cast %swap3A_529 : vector<16xf32> to vector<16xf32>
              %swap3A_531 = vector.shape_cast %get3A_338 : vector<16xf32> to vector<16xf32>
              tpu.vector_store %arg6[%swap3A_528], %swap3A_531 {strides = array<i32>} : memref<32768xf32, #tpu.memory_space<vmem>>, vector<16xf32>,
              %mul3A_532 = arith.constant 2 : i32
              %mul3A_533 = arith.muli %mul3A_532, %scan3A_351 : i32
              %add3A_534 = arith.constant 1 : i32
              %add3A_535 = arith.addi %mul3A_533, %add3A_534 : i32
              %mul3A_536 = arith.constant 128 : i32
              %mul3A_537 = arith.muli %add3A_535, %mul3A_536 : i32
              %add3A_538 = arith.constant 112 : i32
              %add3A_539 = arith.addi %mul3A_537, %add3A_538 : i32
              %swap3A_540 = arith.index_cast %add3A_539 : i32 to index
              %swap3A_541 = tpu.vector_load %arg6[%swap3A_540] {strides = array<i32>} : memref<32768xf32, #tpu.memory_space<vmem>>, vector<16xf32>,
              %swap3A_542 = vector.shape_cast %swap3A_541 : vector<16xf32> to vector<16xf32>
              %swap3A_543 = vector.shape_cast %get3A_343 : vector<16xf32> to vector<16xf32>
              tpu.vector_store %arg6[%swap3A_540], %swap3A_543 {strides = array<i32>} : memref<32768xf32, #tpu.memory_space<vmem>>, vector<16xf32>,
            }
            %scan3A_349 = arith.constant 128 : i32
            %cond3A_350 = arith.constant 0 : i32
            scf.yield %cond3A_350 : i32
          } else {
            %cond3A_299 = arith.constant 0 : i32
            scf.yield %cond3A_299 : i32
          }
          %lt3A_285 = arith.constant 16384 : i32
          %lt3A_286 = arith.cmpi slt, %add3A_261, %lt3A_285 : i32
          %convert_element_type3A_287 = arith.extui %lt3A_286 : i1 to i32
          %cond3A_288 = arith.constant 0 : i32
          %cond3A_289 = arith.constant 0 : i32
          %cond3A_290 = arith.cmpi ne, %convert_element_type3A_287, %cond3A_289 : i32
          %cond3A_291 = scf.if %cond3A_290 -> (i32) {
            %get3A_299 = arith.index_cast %add3A_261 : i32 to index
            %get3A_300 = tpu.vector_load %arg5[%get3A_299] {strides = array<i32>} : memref<16400xi32, #tpu.memory_space<vmem>>, vector<16xi32>,
            %get3A_301 = vector.shape_cast %get3A_300 : vector<16xi32> to vector<16xi32>
            %slice3A_302 = vector.extract_strided_slice %get3A_301 {offsets = [0], sizes = [1], strides = [1]} : vector<16xi32> to vector<1xi32>
            %squeeze3A_303 = vector.extract %slice3A_302[0] : i32 from vector<1xi32>
            %broadcast_in_dim3A_304 = vector.broadcast %squeeze3A_303 : i32 to vector<16xi32>
            %dma_start3A_305 = arith.constant 0 : i32
            %dma_start3A_306 = arith.constant 0 : i32
            %dma_start3A_307 = tpu.memref_slice %arg2[%dma_start3A_305, %dma_start3A_306] : memref<32x128xf32, #tpu.memory_space<hbm>> -> memref<32x128xf32, #tpu.memory_space<hbm>>
            tpu.enqueue_indirect_dma source(%dma_start3A_307 : memref<32x128xf32, #tpu.memory_space<hbm>>) target(%arg9 : memref<16x128xf32, #tpu.memory_space<vmem>>) offsets(%broadcast_in_dim3A_304 : vector<16xi32>) semaphore(%arg11 : memref<!tpu.dma_semaphore, #tpu.memory_space<semaphore_mem>>)
            %cond3A_308 = arith.constant 0 : i32
            scf.yield %cond3A_308 : i32
          } else {
            %cond3A_299 = arith.constant 0 : i32
            scf.yield %cond3A_299 : i32
          }
          %sub3A_292 = arith.subi %add3A_261, %scan3A_107 : i32
          %ge3A = arith.constant 256 : i32
          %ge3A_293 = arith.cmpi sge, %sub3A_292, %ge3A : i32
          %convert_element_type3A_294 = arith.extui %ge3A_293 : i1 to i32
          %cond3A_295 = arith.constant 0 : i32
          %cond3A_296 = arith.constant 0 : i32
          %cond3A_297 = arith.cmpi ne, %convert_element_type3A_294, %cond3A_296 : i32
          %cond3A_298 = scf.if %cond3A_297 -> (i32) {
            %jit3A_299 = arith.constant 256 : i32
            %div3A_300 = arith.divsi %sub3A_292, %jit3A_299 : i32
            %sign3A_301 = arith.constant 0 : i32
            %sign3A_302 = arith.cmpi sgt, %sub3A_292, %sign3A_301 : i32
            %sign3A_303 = arith.extui %sign3A_302 : i1 to i32
            %sign3A_304 = arith.constant 0 : i32
            %sign3A_305 = arith.cmpi slt, %sub3A_292, %sign3A_304 : i32
            %sign3A_306 = arith.extui %sign3A_305 : i1 to i32
            %sign3A_307 = arith.subi %sign3A_303, %sign3A_306 : i32
            %sign3A_308 = arith.constant 0 : i32
            %sign3A_309 = arith.cmpi sgt, %jit3A_299, %sign3A_308 : i32
            %sign3A_310 = arith.extui %sign3A_309 : i1 to i32
            %sign3A_311 = arith.constant 0 : i32
            %sign3A_312 = arith.cmpi slt, %jit3A_299, %sign3A_311 : i32
            %sign3A_313 = arith.extui %sign3A_312 : i1 to i32
            %sign3A_314 = arith.subi %sign3A_310, %sign3A_313 : i32
            %ne3A_315 = arith.cmpi ne, %sign3A_307, %sign3A_314 : i32
            %rem3A_316 = arith.remsi %sub3A_292, %jit3A_299 : i32
            %ne3A_317 = arith.constant 0 : i32
            %ne3A_318 = arith.cmpi ne, %rem3A_316, %ne3A_317 : i32
            %and3A_319 = arith.andi %ne3A_315, %ne3A_318 : i1
            %sub3A_320 = arith.constant 1 : i32
            %sub3A_321 = arith.subi %div3A_300, %sub3A_320 : i32
            %select_n3A_322 = arith.select %and3A_319, %sub3A_321, %div3A_300 : i32
            %while3A_323 = arith.constant 0 : i32
            %while3A_324 = arith.subi %select_n3A_322, %while3A_323 : i32
            %while3A_325 = arith.addi %while3A_323, %while3A_324 : i32
            %while3A_326 = arith.constant 1 : i32
            %while3A_327 = arith.divsi %while3A_324, %while3A_326 : i32
            %while3A_328 = arith.muli %while3A_327, %while3A_326 : i32
            %while3A_329 = arith.addi %while3A_323, %while3A_328 : i32
            %while3A_330 = arith.constant 1 : i32
            %while3A_331 = scf.for %while3A_356 = %while3A_323 to %while3A_329 step %while3A_330 iter_args(%while3A_357 = %cond3A_295) -> (i32)  : i32 {
              %mul3A_358 = arith.constant 256 : i32
              %mul3A_359 = arith.muli %while3A_356, %mul3A_358 : i32
              %add3A_360 = arith.addi %scan3A_107, %mul3A_359 : i32
              %ge3A_361 = arith.constant 8 : i32
              %ge3A_362 = arith.cmpi sge, %while3A_357, %ge3A_361 : i32
              %convert_element_type3A_363 = arith.extui %ge3A_362 : i1 to i32
              %cond3A_364 = arith.constant 0 : i32
              %cond3A_365 = arith.cmpi ne, %convert_element_type3A_363, %cond3A_364 : i32
              %cond3A_366 = scf.if %cond3A_365 -> (i32) {
                %mul3A_374 = arith.constant 128 : i32
                %mul3A_375 = arith.muli %mul3A_2, %mul3A_374 : i32
                %dma_wait3A_376 = tpu.memref_slice %arg4[%mul3A_375] : memref<67108864xf32, #tpu.memory_space<hbm>> -> memref<32768xf32, #tpu.memory_space<hbm>>
                %dma_wait3A_377 = tpu.memref_slice %arg4[%mul3A_375] : memref<67108864xf32, #tpu.memory_space<hbm>> -> memref<32768xf32, #tpu.memory_space<hbm>>
                tpu.wait_dma2 semaphore(%arg12 : memref<!tpu.dma_semaphore, #tpu.memory_space<semaphore_mem>>) src(%arg6 : memref<32768xf32, #tpu.memory_space<vmem>>) dst(%dma_wait3A_377 : memref<32768xf32, #tpu.memory_space<hbm>>)
                %sub3A_378 = arith.constant 1 : i32
                %sub3A_379 = arith.subi %while3A_357, %sub3A_378 : i32
                scf.yield %sub3A_379 : i32
              } else {
                scf.yield %while3A_357 : i32
              }
              %add3A_367 = arith.addi %mul3A_2, %add3A_360 : i32
              %mul3A_368 = arith.constant 128 : i32
              %mul3A_369 = arith.muli %add3A_367, %mul3A_368 : i32
              %dma_start3A_370 = tpu.memref_slice %arg4[%mul3A_369] : memref<67108864xf32, #tpu.memory_space<hbm>> -> memref<32768xf32, #tpu.memory_space<hbm>>
              %dma_start3A_371 = tpu.memref_slice %arg4[%mul3A_369] : memref<67108864xf32, #tpu.memory_space<hbm>> -> memref<32768xf32, #tpu.memory_space<hbm>>
              tpu.enqueue_dma source(%arg6 : memref<32768xf32, #tpu.memory_space<vmem>>) target(%dma_start3A_371 : memref<32768xf32, #tpu.memory_space<hbm>>) target_semaphore(%arg12 : memref<!tpu.dma_semaphore, #tpu.memory_space<semaphore_mem>>)
              %add3A_372 = arith.constant 1 : i32
              %add3A_373 = arith.addi %cond3A_366, %add3A_372 : i32
              scf.yield %add3A_373 : i32
            }
            %while3A_332 = arith.constant 1 : i32
            %while3A_333 = scf.for %while3A_356 = %while3A_329 to %while3A_325 step %while3A_332 iter_args(%while3A_357 = %while3A_331) -> (i32)  : i32 {
              %mul3A_358 = arith.constant 256 : i32
              %mul3A_359 = arith.muli %while3A_356, %mul3A_358 : i32
              %add3A_360 = arith.addi %scan3A_107, %mul3A_359 : i32
              %ge3A_361 = arith.constant 8 : i32
              %ge3A_362 = arith.cmpi sge, %while3A_357, %ge3A_361 : i32
              %convert_element_type3A_363 = arith.extui %ge3A_362 : i1 to i32
              %cond3A_364 = arith.constant 0 : i32
              %cond3A_365 = arith.cmpi ne, %convert_element_type3A_363, %cond3A_364 : i32
              %cond3A_366 = scf.if %cond3A_365 -> (i32) {
                %mul3A_374 = arith.constant 128 : i32
                %mul3A_375 = arith.muli %mul3A_2, %mul3A_374 : i32
                %dma_wait3A_376 = tpu.memref_slice %arg4[%mul3A_375] : memref<67108864xf32, #tpu.memory_space<hbm>> -> memref<32768xf32, #tpu.memory_space<hbm>>
                %dma_wait3A_377 = tpu.memref_slice %arg4[%mul3A_375] : memref<67108864xf32, #tpu.memory_space<hbm>> -> memref<32768xf32, #tpu.memory_space<hbm>>
                tpu.wait_dma2 semaphore(%arg12 : memref<!tpu.dma_semaphore, #tpu.memory_space<semaphore_mem>>) src(%arg6 : memref<32768xf32, #tpu.memory_space<vmem>>) dst(%dma_wait3A_377 : memref<32768xf32, #tpu.memory_space<hbm>>)
                %sub3A_378 = arith.constant 1 : i32
                %sub3A_379 = arith.subi %while3A_357, %sub3A_378 : i32
                scf.yield %sub3A_379 : i32
              } else {
                scf.yield %while3A_357 : i32
              }
              %add3A_367 = arith.addi %mul3A_2, %add3A_360 : i32
              %mul3A_368 = arith.constant 128 : i32
              %mul3A_369 = arith.muli %add3A_367, %mul3A_368 : i32
              %dma_start3A_370 = tpu.memref_slice %arg4[%mul3A_369] : memref<67108864xf32, #tpu.memory_space<hbm>> -> memref<32768xf32, #tpu.memory_space<hbm>>
              %dma_start3A_371 = tpu.memref_slice %arg4[%mul3A_369] : memref<67108864xf32, #tpu.memory_space<hbm>> -> memref<32768xf32, #tpu.memory_space<hbm>>
              tpu.enqueue_dma source(%arg6 : memref<32768xf32, #tpu.memory_space<vmem>>) target(%dma_start3A_371 : memref<32768xf32, #tpu.memory_space<hbm>>) target_semaphore(%arg12 : memref<!tpu.dma_semaphore, #tpu.memory_space<semaphore_mem>>)
              %add3A_372 = arith.constant 1 : i32
              %add3A_373 = arith.addi %cond3A_366, %add3A_372 : i32
              scf.yield %add3A_373 : i32
            }
            %jit3A_334 = arith.constant 256 : i32
            %eq3A_335 = arith.constant 0 : i32
            %eq3A_336 = arith.cmpi eq, %jit3A_334, %eq3A_335 : i32
            %jit3A_337 = arith.constant 1 : i32
            %select_n3A_338 = arith.select %eq3A_336, %jit3A_337, %jit3A_334 : i32
            %rem3A_339 = arith.remsi %sub3A_292, %select_n3A_338 : i32
            %ne3A_340 = arith.constant 0 : i32
            %ne3A_341 = arith.cmpi ne, %rem3A_339, %ne3A_340 : i32
            %lt3A_342 = arith.constant 0 : i32
            %lt3A_343 = arith.cmpi slt, %rem3A_339, %lt3A_342 : i32
            %lt3A_344 = arith.constant 0 : i32
            %lt3A_345 = arith.cmpi slt, %select_n3A_338, %lt3A_344 : i32
            %ne3A_346 = arith.xori %lt3A_343, %lt3A_345 : i1
            %and3A_347 = arith.andi %ne3A_346, %ne3A_341 : i1
            %add3A_348 = arith.addi %rem3A_339, %select_n3A_338 : i32
            %select_n3A_349 = arith.select %and3A_347, %add3A_348, %rem3A_339 : i32
            %gt3A_350 = arith.constant 0 : i32
            %gt3A_351 = arith.cmpi sgt, %select_n3A_349, %gt3A_350 : i32
            %convert_element_type3A_352 = arith.extui %gt3A_351 : i1 to i32
            %cond3A_353 = arith.constant 0 : i32
            %cond3A_354 = arith.cmpi ne, %convert_element_type3A_352, %cond3A_353 : i32
            %cond3A_355 = scf.if %cond3A_354 -> (i32) {
              %sub3A_356 = arith.constant 256 : i32
              %sub3A_357 = arith.subi %add3A_261, %sub3A_356 : i32
              %ge3A_358 = arith.constant 8 : i32
              %ge3A_359 = arith.cmpi sge, %while3A_333, %ge3A_358 : i32
              %convert_element_type3A_360 = arith.extui %ge3A_359 : i1 to i32
              %cond3A_361 = arith.constant 0 : i32
              %cond3A_362 = arith.cmpi ne, %convert_element_type3A_360, %cond3A_361 : i32
              %cond3A_363 = scf.if %cond3A_362 -> (i32) {
                %mul3A_371 = arith.constant 128 : i32
                %mul3A_372 = arith.muli %mul3A_2, %mul3A_371 : i32
                %dma_wait3A_373 = tpu.memref_slice %arg4[%mul3A_372] : memref<67108864xf32, #tpu.memory_space<hbm>> -> memref<32768xf32, #tpu.memory_space<hbm>>
                %dma_wait3A_374 = tpu.memref_slice %arg4[%mul3A_372] : memref<67108864xf32, #tpu.memory_space<hbm>> -> memref<32768xf32, #tpu.memory_space<hbm>>
                tpu.wait_dma2 semaphore(%arg12 : memref<!tpu.dma_semaphore, #tpu.memory_space<semaphore_mem>>) src(%arg6 : memref<32768xf32, #tpu.memory_space<vmem>>) dst(%dma_wait3A_374 : memref<32768xf32, #tpu.memory_space<hbm>>)
                %sub3A_375 = arith.constant 1 : i32
                %sub3A_376 = arith.subi %while3A_333, %sub3A_375 : i32
                scf.yield %sub3A_376 : i32
              } else {
                scf.yield %while3A_333 : i32
              }
              %add3A_364 = arith.addi %mul3A_2, %sub3A_357 : i32
              %mul3A_365 = arith.constant 128 : i32
              %mul3A_366 = arith.muli %add3A_364, %mul3A_365 : i32
              %dma_start3A_367 = tpu.memref_slice %arg4[%mul3A_366] : memref<67108864xf32, #tpu.memory_space<hbm>> -> memref<32768xf32, #tpu.memory_space<hbm>>
              %dma_start3A_368 = tpu.memref_slice %arg4[%mul3A_366] : memref<67108864xf32, #tpu.memory_space<hbm>> -> memref<32768xf32, #tpu.memory_space<hbm>>
              tpu.enqueue_dma source(%arg6 : memref<32768xf32, #tpu.memory_space<vmem>>) target(%dma_start3A_368 : memref<32768xf32, #tpu.memory_space<hbm>>) target_semaphore(%arg12 : memref<!tpu.dma_semaphore, #tpu.memory_space<semaphore_mem>>)
              %add3A_369 = arith.constant 1 : i32
              %add3A_370 = arith.addi %cond3A_363, %add3A_369 : i32
              scf.yield %add3A_370 : i32
            } else {
              scf.yield %while3A_333 : i32
            }
            scf.yield %cond3A_355 : i32
          } else {
            %jit3A_299 = arith.constant 16 : i32
            %div3A_300 = arith.divsi %sub3A_292, %jit3A_299 : i32
            %sign3A_301 = arith.constant 0 : i32
            %sign3A_302 = arith.cmpi sgt, %sub3A_292, %sign3A_301 : i32
            %sign3A_303 = arith.extui %sign3A_302 : i1 to i32
            %sign3A_304 = arith.constant 0 : i32
            %sign3A_305 = arith.cmpi slt, %sub3A_292, %sign3A_304 : i32
            %sign3A_306 = arith.extui %sign3A_305 : i1 to i32
            %sign3A_307 = arith.subi %sign3A_303, %sign3A_306 : i32
            %sign3A_308 = arith.constant 0 : i32
            %sign3A_309 = arith.cmpi sgt, %jit3A_299, %sign3A_308 : i32
            %sign3A_310 = arith.extui %sign3A_309 : i1 to i32
            %sign3A_311 = arith.constant 0 : i32
            %sign3A_312 = arith.cmpi slt, %jit3A_299, %sign3A_311 : i32
            %sign3A_313 = arith.extui %sign3A_312 : i1 to i32
            %sign3A_314 = arith.subi %sign3A_310, %sign3A_313 : i32
            %ne3A_315 = arith.cmpi ne, %sign3A_307, %sign3A_314 : i32
            %rem3A_316 = arith.remsi %sub3A_292, %jit3A_299 : i32
            %ne3A_317 = arith.constant 0 : i32
            %ne3A_318 = arith.cmpi ne, %rem3A_316, %ne3A_317 : i32
            %and3A_319 = arith.andi %ne3A_315, %ne3A_318 : i1
            %sub3A_320 = arith.constant 1 : i32
            %sub3A_321 = arith.subi %div3A_300, %sub3A_320 : i32
            %select_n3A_322 = arith.select %and3A_319, %sub3A_321, %div3A_300 : i32
            %while3A_323 = arith.constant 0 : i32
            %while3A_324 = arith.constant 0 : i32
            %while3A_325 = arith.subi %select_n3A_322, %while3A_324 : i32
            %while3A_326 = arith.addi %while3A_324, %while3A_325 : i32
            %while3A_327 = arith.constant 1 : i32
            %while3A_328 = arith.divsi %while3A_325, %while3A_327 : i32
            %while3A_329 = arith.muli %while3A_328, %while3A_327 : i32
            %while3A_330 = arith.addi %while3A_324, %while3A_329 : i32
            %while3A_331 = arith.constant 1 : i32
            scf.for %while3A_355 = %while3A_324 to %while3A_330 step %while3A_331  : i32 {
              %mul3A_356 = arith.constant 16 : i32
              %mul3A_357 = arith.muli %mul3A_356, %while3A_355 : i32
              %add3A_358 = arith.addi %scan3A_107, %mul3A_357 : i32
              %add3A_359 = arith.addi %mul3A_2, %add3A_358 : i32
              %mul3A_360 = arith.constant 128 : i32
              %mul3A_361 = arith.muli %add3A_359, %mul3A_360 : i32
              %dma_start3A_362 = arith.constant 0 : i32
              %dma_start3A_363 = tpu.memref_slice %arg6[%dma_start3A_362] : memref<32768xf32, #tpu.memory_space<vmem>> -> memref<2048xf32, #tpu.memory_space<vmem>>
              %dma_start3A_364 = tpu.memref_slice %arg4[%mul3A_361] : memref<67108864xf32, #tpu.memory_space<hbm>> -> memref<2048xf32, #tpu.memory_space<hbm>>
              %dma_start3A_365 = tpu.memref_slice %arg4[%mul3A_361] : memref<67108864xf32, #tpu.memory_space<hbm>> -> memref<2048xf32, #tpu.memory_space<hbm>>
              %dma_start3A_366 = arith.constant 0 : i32
              %dma_start3A_367 = tpu.memref_slice %arg6[%dma_start3A_366] : memref<32768xf32, #tpu.memory_space<vmem>> -> memref<2048xf32, #tpu.memory_space<vmem>>
              tpu.enqueue_dma source(%dma_start3A_367 : memref<2048xf32, #tpu.memory_space<vmem>>) target(%dma_start3A_365 : memref<2048xf32, #tpu.memory_space<hbm>>) target_semaphore(%arg14 : memref<!tpu.dma_semaphore, #tpu.memory_space<semaphore_mem>>)
              %dma_wait3A_368 = arith.constant 0 : i32
              %dma_wait3A_369 = tpu.memref_slice %arg6[%dma_wait3A_368] : memref<32768xf32, #tpu.memory_space<vmem>> -> memref<2048xf32, #tpu.memory_space<vmem>>
              %dma_wait3A_370 = tpu.memref_slice %arg4[%mul3A_361] : memref<67108864xf32, #tpu.memory_space<hbm>> -> memref<2048xf32, #tpu.memory_space<hbm>>
              %dma_wait3A_371 = tpu.memref_slice %arg4[%mul3A_361] : memref<67108864xf32, #tpu.memory_space<hbm>> -> memref<2048xf32, #tpu.memory_space<hbm>>
              %dma_wait3A_372 = arith.constant 0 : i32
              %dma_wait3A_373 = tpu.memref_slice %arg6[%dma_wait3A_372] : memref<32768xf32, #tpu.memory_space<vmem>> -> memref<2048xf32, #tpu.memory_space<vmem>>
              tpu.wait_dma2 semaphore(%arg14 : memref<!tpu.dma_semaphore, #tpu.memory_space<semaphore_mem>>) src(%dma_wait3A_373 : memref<2048xf32, #tpu.memory_space<vmem>>) dst(%dma_wait3A_371 : memref<2048xf32, #tpu.memory_space<hbm>>)
            }
            %while3A_332 = arith.constant 1 : i32
            scf.for %while3A_355 = %while3A_330 to %while3A_326 step %while3A_332  : i32 {
              %mul3A_356 = arith.constant 16 : i32
              %mul3A_357 = arith.muli %mul3A_356, %while3A_355 : i32
              %add3A_358 = arith.addi %scan3A_107, %mul3A_357 : i32
              %add3A_359 = arith.addi %mul3A_2, %add3A_358 : i32
              %mul3A_360 = arith.constant 128 : i32
              %mul3A_361 = arith.muli %add3A_359, %mul3A_360 : i32
              %dma_start3A_362 = arith.constant 0 : i32
              %dma_start3A_363 = tpu.memref_slice %arg6[%dma_start3A_362] : memref<32768xf32, #tpu.memory_space<vmem>> -> memref<2048xf32, #tpu.memory_space<vmem>>
              %dma_start3A_364 = tpu.memref_slice %arg4[%mul3A_361] : memref<67108864xf32, #tpu.memory_space<hbm>> -> memref<2048xf32, #tpu.memory_space<hbm>>
              %dma_start3A_365 = tpu.memref_slice %arg4[%mul3A_361] : memref<67108864xf32, #tpu.memory_space<hbm>> -> memref<2048xf32, #tpu.memory_space<hbm>>
              %dma_start3A_366 = arith.constant 0 : i32
              %dma_start3A_367 = tpu.memref_slice %arg6[%dma_start3A_366] : memref<32768xf32, #tpu.memory_space<vmem>> -> memref<2048xf32, #tpu.memory_space<vmem>>
              tpu.enqueue_dma source(%dma_start3A_367 : memref<2048xf32, #tpu.memory_space<vmem>>) target(%dma_start3A_365 : memref<2048xf32, #tpu.memory_space<hbm>>) target_semaphore(%arg14 : memref<!tpu.dma_semaphore, #tpu.memory_space<semaphore_mem>>)
              %dma_wait3A_368 = arith.constant 0 : i32
              %dma_wait3A_369 = tpu.memref_slice %arg6[%dma_wait3A_368] : memref<32768xf32, #tpu.memory_space<vmem>> -> memref<2048xf32, #tpu.memory_space<vmem>>
              %dma_wait3A_370 = tpu.memref_slice %arg4[%mul3A_361] : memref<67108864xf32, #tpu.memory_space<hbm>> -> memref<2048xf32, #tpu.memory_space<hbm>>
              %dma_wait3A_371 = tpu.memref_slice %arg4[%mul3A_361] : memref<67108864xf32, #tpu.memory_space<hbm>> -> memref<2048xf32, #tpu.memory_space<hbm>>
              %dma_wait3A_372 = arith.constant 0 : i32
              %dma_wait3A_373 = tpu.memref_slice %arg6[%dma_wait3A_372] : memref<32768xf32, #tpu.memory_space<vmem>> -> memref<2048xf32, #tpu.memory_space<vmem>>
              tpu.wait_dma2 semaphore(%arg14 : memref<!tpu.dma_semaphore, #tpu.memory_space<semaphore_mem>>) src(%dma_wait3A_373 : memref<2048xf32, #tpu.memory_space<vmem>>) dst(%dma_wait3A_371 : memref<2048xf32, #tpu.memory_space<hbm>>)
            }
            %jit3A_333 = arith.constant 16 : i32
            %eq3A_334 = arith.constant 0 : i32
            %eq3A_335 = arith.cmpi eq, %jit3A_333, %eq3A_334 : i32
            %jit3A_336 = arith.constant 1 : i32
            %select_n3A_337 = arith.select %eq3A_335, %jit3A_336, %jit3A_333 : i32
            %rem3A_338 = arith.remsi %sub3A_292, %select_n3A_337 : i32
            %ne3A_339 = arith.constant 0 : i32
            %ne3A_340 = arith.cmpi ne, %rem3A_338, %ne3A_339 : i32
            %lt3A_341 = arith.constant 0 : i32
            %lt3A_342 = arith.cmpi slt, %rem3A_338, %lt3A_341 : i32
            %lt3A_343 = arith.constant 0 : i32
            %lt3A_344 = arith.cmpi slt, %select_n3A_337, %lt3A_343 : i32
            %ne3A_345 = arith.xori %lt3A_342, %lt3A_344 : i1
            %and3A_346 = arith.andi %ne3A_345, %ne3A_340 : i1
            %add3A_347 = arith.addi %rem3A_338, %select_n3A_337 : i32
            %select_n3A_348 = arith.select %and3A_346, %add3A_347, %rem3A_338 : i32
            %gt3A_349 = arith.constant 0 : i32
            %gt3A_350 = arith.cmpi sgt, %select_n3A_348, %gt3A_349 : i32
            %convert_element_type3A_351 = arith.extui %gt3A_350 : i1 to i32
            %cond3A_352 = arith.constant 0 : i32
            %cond3A_353 = arith.constant 0 : i32
            %cond3A_354 = arith.cmpi ne, %convert_element_type3A_351, %cond3A_353 : i32
            scf.if %cond3A_354 {
              %ge3A_355 = arith.constant 16 : i32
              %ge3A_356 = arith.cmpi sge, %sub3A_292, %ge3A_355 : i32
              %convert_element_type3A_357 = arith.extui %ge3A_356 : i1 to i32
              %cond3A_358 = arith.constant 0 : i32
              %cond3A_359 = arith.cmpi ne, %convert_element_type3A_357, %cond3A_358 : i32
              scf.if %cond3A_359 {
                %sub3A_360 = arith.constant 16 : i32
                %sub3A_361 = arith.subi %add3A_261, %sub3A_360 : i32
                %add3A_362 = arith.addi %mul3A_2, %sub3A_361 : i32
                %mul3A_363 = arith.constant 128 : i32
                %mul3A_364 = arith.muli %add3A_362, %mul3A_363 : i32
                %dma_start3A_365 = arith.constant 0 : i32
                %dma_start3A_366 = tpu.memref_slice %arg6[%dma_start3A_365] : memref<32768xf32, #tpu.memory_space<vmem>> -> memref<2048xf32, #tpu.memory_space<vmem>>
                %dma_start3A_367 = tpu.memref_slice %arg4[%mul3A_364] : memref<67108864xf32, #tpu.memory_space<hbm>> -> memref<2048xf32, #tpu.memory_space<hbm>>
                %dma_start3A_368 = tpu.memref_slice %arg4[%mul3A_364] : memref<67108864xf32, #tpu.memory_space<hbm>> -> memref<2048xf32, #tpu.memory_space<hbm>>
                %dma_start3A_369 = arith.constant 0 : i32
                %dma_start3A_370 = tpu.memref_slice %arg6[%dma_start3A_369] : memref<32768xf32, #tpu.memory_space<vmem>> -> memref<2048xf32, #tpu.memory_space<vmem>>
                tpu.enqueue_dma source(%dma_start3A_370 : memref<2048xf32, #tpu.memory_space<vmem>>) target(%dma_start3A_368 : memref<2048xf32, #tpu.memory_space<hbm>>) target_semaphore(%arg14 : memref<!tpu.dma_semaphore, #tpu.memory_space<semaphore_mem>>)
                %dma_wait3A_371 = arith.constant 0 : i32
                %dma_wait3A_372 = tpu.memref_slice %arg6[%dma_wait3A_371] : memref<32768xf32, #tpu.memory_space<vmem>> -> memref<2048xf32, #tpu.memory_space<vmem>>
                %dma_wait3A_373 = tpu.memref_slice %arg4[%mul3A_364] : memref<67108864xf32, #tpu.memory_space<hbm>> -> memref<2048xf32, #tpu.memory_space<hbm>>
                %dma_wait3A_374 = tpu.memref_slice %arg4[%mul3A_364] : memref<67108864xf32, #tpu.memory_space<hbm>> -> memref<2048xf32, #tpu.memory_space<hbm>>
                %dma_wait3A_375 = arith.constant 0 : i32
                %dma_wait3A_376 = tpu.memref_slice %arg6[%dma_wait3A_375] : memref<32768xf32, #tpu.memory_space<vmem>> -> memref<2048xf32, #tpu.memory_space<vmem>>
                tpu.wait_dma2 semaphore(%arg14 : memref<!tpu.dma_semaphore, #tpu.memory_space<semaphore_mem>>) src(%dma_wait3A_376 : memref<2048xf32, #tpu.memory_space<vmem>>) dst(%dma_wait3A_374 : memref<2048xf32, #tpu.memory_space<hbm>>)
              } else {
                %jit3A_360 = arith.constant 16 : i32
                %eq3A_361 = arith.constant 0 : i32
                %eq3A_362 = arith.cmpi eq, %jit3A_360, %eq3A_361 : i32
                %jit3A_363 = arith.constant 1 : i32
                %select_n3A_364 = arith.select %eq3A_362, %jit3A_363, %jit3A_360 : i32
                %rem3A_365 = arith.remsi %sub3A_292, %select_n3A_364 : i32
                %ne3A_366 = arith.constant 0 : i32
                %ne3A_367 = arith.cmpi ne, %rem3A_365, %ne3A_366 : i32
                %lt3A_368 = arith.constant 0 : i32
                %lt3A_369 = arith.cmpi slt, %rem3A_365, %lt3A_368 : i32
                %lt3A_370 = arith.constant 0 : i32
                %lt3A_371 = arith.cmpi slt, %select_n3A_364, %lt3A_370 : i32
                %ne3A_372 = arith.xori %lt3A_369, %lt3A_371 : i1
                %and3A_373 = arith.andi %ne3A_372, %ne3A_367 : i1
                %add3A_374 = arith.addi %rem3A_365, %select_n3A_364 : i32
                %select_n3A_375 = arith.select %and3A_373, %add3A_374, %rem3A_365 : i32
                %while3A_376 = arith.constant 0 : i32
                %while3A_377 = arith.subi %select_n3A_375, %while3A_376 : i32
                %while3A_378 = arith.addi %while3A_376, %while3A_377 : i32
                %while3A_379 = arith.constant 1 : i32
                %while3A_380 = arith.divsi %while3A_377, %while3A_379 : i32
                %while3A_381 = arith.muli %while3A_380, %while3A_379 : i32
                %while3A_382 = arith.addi %while3A_376, %while3A_381 : i32
                %while3A_383 = arith.constant 1 : i32
                scf.for %while3A_385 = %while3A_376 to %while3A_382 step %while3A_383  : i32 {
                  %mul3A_386 = arith.constant 16 : i32
                  %mul3A_387 = arith.muli %mul3A_386, %select_n3A_322 : i32
                  %add3A_388 = arith.addi %scan3A_107, %mul3A_387 : i32
                  %add3A_389 = arith.addi %add3A_388, %while3A_385 : i32
                  %add3A_390 = arith.addi %mul3A_2, %add3A_389 : i32
                  %mul3A_391 = arith.constant 128 : i32
                  %mul3A_392 = arith.muli %add3A_390, %mul3A_391 : i32
                  %dma_start3A_393 = arith.constant 0 : i32
                  %dma_start3A_394 = tpu.memref_slice %arg6[%dma_start3A_393] : memref<32768xf32, #tpu.memory_space<vmem>> -> memref<128xf32, #tpu.memory_space<vmem>>
                  %dma_start3A_395 = tpu.memref_slice %arg4[%mul3A_392] : memref<67108864xf32, #tpu.memory_space<hbm>> -> memref<128xf32, #tpu.memory_space<hbm>>
                  %dma_start3A_396 = tpu.memref_slice %arg4[%mul3A_392] : memref<67108864xf32, #tpu.memory_space<hbm>> -> memref<128xf32, #tpu.memory_space<hbm>>
                  %dma_start3A_397 = arith.constant 0 : i32
                  %dma_start3A_398 = tpu.memref_slice %arg6[%dma_start3A_397] : memref<32768xf32, #tpu.memory_space<vmem>> -> memref<128xf32, #tpu.memory_space<vmem>>
                  tpu.enqueue_dma source(%dma_start3A_398 : memref<128xf32, #tpu.memory_space<vmem>>) target(%dma_start3A_396 : memref<128xf32, #tpu.memory_space<hbm>>) target_semaphore(%arg14 : memref<!tpu.dma_semaphore, #tpu.memory_space<semaphore_mem>>)
                  %dma_wait3A_399 = arith.constant 0 : i32
                  %dma_wait3A_400 = tpu.memref_slice %arg6[%dma_wait3A_399] : memref<32768xf32, #tpu.memory_space<vmem>> -> memref<128xf32, #tpu.memory_space<vmem>>
                  %dma_wait3A_401 = tpu.memref_slice %arg4[%mul3A_392] : memref<67108864xf32, #tpu.memory_space<hbm>> -> memref<128xf32, #tpu.memory_space<hbm>>
                  %dma_wait3A_402 = tpu.memref_slice %arg4[%mul3A_392] : memref<67108864xf32, #tpu.memory_space<hbm>> -> memref<128xf32, #tpu.memory_space<hbm>>
                  %dma_wait3A_403 = arith.constant 0 : i32
                  %dma_wait3A_404 = tpu.memref_slice %arg6[%dma_wait3A_403] : memref<32768xf32, #tpu.memory_space<vmem>> -> memref<128xf32, #tpu.memory_space<vmem>>
                  tpu.wait_dma2 semaphore(%arg14 : memref<!tpu.dma_semaphore, #tpu.memory_space<semaphore_mem>>) src(%dma_wait3A_404 : memref<128xf32, #tpu.memory_space<vmem>>) dst(%dma_wait3A_402 : memref<128xf32, #tpu.memory_space<hbm>>)
                }
                %while3A_384 = arith.constant 1 : i32
                scf.for %while3A_385 = %while3A_382 to %while3A_378 step %while3A_384  : i32 {
                  %mul3A_386 = arith.constant 16 : i32
                  %mul3A_387 = arith.muli %mul3A_386, %select_n3A_322 : i32
                  %add3A_388 = arith.addi %scan3A_107, %mul3A_387 : i32
                  %add3A_389 = arith.addi %add3A_388, %while3A_385 : i32
                  %add3A_390 = arith.addi %mul3A_2, %add3A_389 : i32
                  %mul3A_391 = arith.constant 128 : i32
                  %mul3A_392 = arith.muli %add3A_390, %mul3A_391 : i32
                  %dma_start3A_393 = arith.constant 0 : i32
                  %dma_start3A_394 = tpu.memref_slice %arg6[%dma_start3A_393] : memref<32768xf32, #tpu.memory_space<vmem>> -> memref<128xf32, #tpu.memory_space<vmem>>
                  %dma_start3A_395 = tpu.memref_slice %arg4[%mul3A_392] : memref<67108864xf32, #tpu.memory_space<hbm>> -> memref<128xf32, #tpu.memory_space<hbm>>
                  %dma_start3A_396 = tpu.memref_slice %arg4[%mul3A_392] : memref<67108864xf32, #tpu.memory_space<hbm>> -> memref<128xf32, #tpu.memory_space<hbm>>
                  %dma_start3A_397 = arith.constant 0 : i32
                  %dma_start3A_398 = tpu.memref_slice %arg6[%dma_start3A_397] : memref<32768xf32, #tpu.memory_space<vmem>> -> memref<128xf32, #tpu.memory_space<vmem>>
                  tpu.enqueue_dma source(%dma_start3A_398 : memref<128xf32, #tpu.memory_space<vmem>>) target(%dma_start3A_396 : memref<128xf32, #tpu.memory_space<hbm>>) target_semaphore(%arg14 : memref<!tpu.dma_semaphore, #tpu.memory_space<semaphore_mem>>)
                  %dma_wait3A_399 = arith.constant 0 : i32
                  %dma_wait3A_400 = tpu.memref_slice %arg6[%dma_wait3A_399] : memref<32768xf32, #tpu.memory_space<vmem>> -> memref<128xf32, #tpu.memory_space<vmem>>
                  %dma_wait3A_401 = tpu.memref_slice %arg4[%mul3A_392] : memref<67108864xf32, #tpu.memory_space<hbm>> -> memref<128xf32, #tpu.memory_space<hbm>>
                  %dma_wait3A_402 = tpu.memref_slice %arg4[%mul3A_392] : memref<67108864xf32, #tpu.memory_space<hbm>> -> memref<128xf32, #tpu.memory_space<hbm>>
                  %dma_wait3A_403 = arith.constant 0 : i32
                  %dma_wait3A_404 = tpu.memref_slice %arg6[%dma_wait3A_403] : memref<32768xf32, #tpu.memory_space<vmem>> -> memref<128xf32, #tpu.memory_space<vmem>>
                  tpu.wait_dma2 semaphore(%arg14 : memref<!tpu.dma_semaphore, #tpu.memory_space<semaphore_mem>>) src(%dma_wait3A_404 : memref<128xf32, #tpu.memory_space<vmem>>) dst(%dma_wait3A_402 : memref<128xf32, #tpu.memory_space<hbm>>)
                }
              }
            } else {
            }
            scf.yield %cond3A_295 : i32
          }
          scf.yield %cond3A_298, %scan3A_110 : i32, i32
        } else {
          %while3A_269 = arith.constant 0 : i32
          %while3A_270 = arith.constant 0 : i32
          %while3A_271 = arith.subi %scan3A_110, %while3A_270 : i32
          %while3A_272 = arith.addi %while3A_270, %while3A_271 : i32
          %while3A_273 = arith.constant 1 : i32
          %while3A_274 = arith.divsi %while3A_271, %while3A_273 : i32
          %while3A_275 = arith.muli %while3A_274, %while3A_273 : i32
          %while3A_276 = arith.addi %while3A_270, %while3A_275 : i32
          %while3A_277 = arith.constant 1 : i32
          scf.for %while3A_299 = %while3A_270 to %while3A_276 step %while3A_277  : i32 {
            %mul3A_300 = arith.constant 128 : i32
            %mul3A_301 = arith.muli %mul3A_2, %mul3A_300 : i32
            %dma_wait3A_302 = tpu.memref_slice %arg4[%mul3A_301] : memref<67108864xf32, #tpu.memory_space<hbm>> -> memref<32768xf32, #tpu.memory_space<hbm>>
            %dma_wait3A_303 = tpu.memref_slice %arg4[%mul3A_301] : memref<67108864xf32, #tpu.memory_space<hbm>> -> memref<32768xf32, #tpu.memory_space<hbm>>
            tpu.wait_dma2 semaphore(%arg13 : memref<!tpu.dma_semaphore, #tpu.memory_space<semaphore_mem>>) src(%arg7 : memref<32768xf32, #tpu.memory_space<vmem>>) dst(%dma_wait3A_303 : memref<32768xf32, #tpu.memory_space<hbm>>)
          }
          %while3A_278 = arith.constant 1 : i32
          scf.for %while3A_299 = %while3A_276 to %while3A_272 step %while3A_278  : i32 {
            %mul3A_300 = arith.constant 128 : i32
            %mul3A_301 = arith.muli %mul3A_2, %mul3A_300 : i32
            %dma_wait3A_302 = tpu.memref_slice %arg4[%mul3A_301] : memref<67108864xf32, #tpu.memory_space<hbm>> -> memref<32768xf32, #tpu.memory_space<hbm>>
            %dma_wait3A_303 = tpu.memref_slice %arg4[%mul3A_301] : memref<67108864xf32, #tpu.memory_space<hbm>> -> memref<32768xf32, #tpu.memory_space<hbm>>
            tpu.wait_dma2 semaphore(%arg13 : memref<!tpu.dma_semaphore, #tpu.memory_space<semaphore_mem>>) src(%arg7 : memref<32768xf32, #tpu.memory_space<vmem>>) dst(%dma_wait3A_303 : memref<32768xf32, #tpu.memory_space<hbm>>)
          }
          %gt3A = arith.constant 0 : i32
          %gt3A_279 = arith.cmpi sgt, %scan3A_107, %gt3A : i32
          %convert_element_type3A_280 = arith.extui %gt3A_279 : i1 to i32
          %cond3A_281 = arith.constant 0 : i32
          %cond3A_282 = arith.constant 0 : i32
          %cond3A_283 = arith.cmpi ne, %convert_element_type3A_280, %cond3A_282 : i32
          %cond3A_284 = scf.if %cond3A_283 -> (i32) {
            %broadcast_in_dim3A_299 = arith.constant 0 : i32
            %broadcast_in_dim3A_300 = vector.broadcast %broadcast_in_dim3A_299 : i32 to vector<16xi32>
            %dma_wait3A_301 = arith.constant 0 : i32
            %dma_wait3A_302 = arith.constant 0 : i32
            %dma_wait3A_303 = tpu.memref_slice %arg2[%dma_wait3A_301, %dma_wait3A_302] : memref<32x128xf32, #tpu.memory_space<hbm>> -> memref<32x128xf32, #tpu.memory_space<hbm>>
            tpu.wait_indirect_dma semaphore(%arg11 : memref<!tpu.dma_semaphore, #tpu.memory_space<semaphore_mem>>) src(%dma_wait3A_303 : memref<32x128xf32, #tpu.memory_space<hbm>>) dst(%arg9 : memref<16x128xf32, #tpu.memory_space<vmem>>)
            %get3A_304 = arith.constant 0 : i32
            %get3A_305 = arith.index_cast %get3A_304 : i32 to index
            %get3A_306 = arith.constant 0 : index
            %get3A_307 = tpu.vector_load %arg9[%get3A_305, %get3A_306] {strides = array<i32>} : memref<16x128xf32, #tpu.memory_space<vmem>>, vector<1x16xf32>,
            %get3A_308 = vector.shape_cast %get3A_307 : vector<1x16xf32> to vector<16xf32>
            %get3A_309 = arith.constant 0 : i32
            %get3A_310 = arith.index_cast %get3A_309 : i32 to index
            %get3A_311 = arith.constant 16 : index
            %get3A_312 = tpu.vector_load %arg9[%get3A_310, %get3A_311] {strides = array<i32>} : memref<16x128xf32, #tpu.memory_space<vmem>>, vector<1x16xf32>,
            %get3A_313 = vector.shape_cast %get3A_312 : vector<1x16xf32> to vector<16xf32>
            %get3A_314 = arith.constant 0 : i32
            %get3A_315 = arith.index_cast %get3A_314 : i32 to index
            %get3A_316 = arith.constant 32 : index
            %get3A_317 = tpu.vector_load %arg9[%get3A_315, %get3A_316] {strides = array<i32>} : memref<16x128xf32, #tpu.memory_space<vmem>>, vector<1x16xf32>,
            %get3A_318 = vector.shape_cast %get3A_317 : vector<1x16xf32> to vector<16xf32>
            %get3A_319 = arith.constant 0 : i32
            %get3A_320 = arith.index_cast %get3A_319 : i32 to index
            %get3A_321 = arith.constant 48 : index
            %get3A_322 = tpu.vector_load %arg9[%get3A_320, %get3A_321] {strides = array<i32>} : memref<16x128xf32, #tpu.memory_space<vmem>>, vector<1x16xf32>,
            %get3A_323 = vector.shape_cast %get3A_322 : vector<1x16xf32> to vector<16xf32>
            %get3A_324 = arith.constant 0 : i32
            %get3A_325 = arith.index_cast %get3A_324 : i32 to index
            %get3A_326 = arith.constant 64 : index
            %get3A_327 = tpu.vector_load %arg9[%get3A_325, %get3A_326] {strides = array<i32>} : memref<16x128xf32, #tpu.memory_space<vmem>>, vector<1x16xf32>,
            %get3A_328 = vector.shape_cast %get3A_327 : vector<1x16xf32> to vector<16xf32>
            %get3A_329 = arith.constant 0 : i32
            %get3A_330 = arith.index_cast %get3A_329 : i32 to index
            %get3A_331 = arith.constant 80 : index
            %get3A_332 = tpu.vector_load %arg9[%get3A_330, %get3A_331] {strides = array<i32>} : memref<16x128xf32, #tpu.memory_space<vmem>>, vector<1x16xf32>,
            %get3A_333 = vector.shape_cast %get3A_332 : vector<1x16xf32> to vector<16xf32>
            %get3A_334 = arith.constant 0 : i32
            %get3A_335 = arith.index_cast %get3A_334 : i32 to index
            %get3A_336 = arith.constant 96 : index
            %get3A_337 = tpu.vector_load %arg9[%get3A_335, %get3A_336] {strides = array<i32>} : memref<16x128xf32, #tpu.memory_space<vmem>>, vector<1x16xf32>,
            %get3A_338 = vector.shape_cast %get3A_337 : vector<1x16xf32> to vector<16xf32>
            %get3A_339 = arith.constant 0 : i32
            %get3A_340 = arith.index_cast %get3A_339 : i32 to index
            %get3A_341 = arith.constant 112 : index
            %get3A_342 = tpu.vector_load %arg9[%get3A_340, %get3A_341] {strides = array<i32>} : memref<16x128xf32, #tpu.memory_space<vmem>>, vector<1x16xf32>,
            %get3A_343 = vector.shape_cast %get3A_342 : vector<1x16xf32> to vector<16xf32>
            %scan3A_344 = arith.constant 0 : i32
            %scan3A_345 = arith.constant 0 : i32
            %scan3A_346 = arith.constant 128 : i32
            %scan3A_347 = arith.addi %scan3A_345, %scan3A_346 : i32
            %scan3A_348 = arith.constant 1 : i32
            scf.for %scan3A_351 = %scan3A_345 to %scan3A_347 step %scan3A_348  : i32 {
              %mul3A_352 = arith.constant 2 : i32
              %mul3A_353 = arith.muli %mul3A_352, %scan3A_351 : i32
              %add3A_354 = arith.constant 0 : i32
              %add3A_355 = arith.addi %mul3A_353, %add3A_354 : i32
              %mul3A_356 = arith.constant 128 : i32
              %mul3A_357 = arith.muli %add3A_355, %mul3A_356 : i32
              %add3A_358 = arith.constant 0 : i32
              %add3A_359 = arith.addi %mul3A_357, %add3A_358 : i32
              %swap3A_360 = arith.index_cast %add3A_359 : i32 to index
              %swap3A_361 = tpu.vector_load %arg7[%swap3A_360] {strides = array<i32>} : memref<32768xf32, #tpu.memory_space<vmem>>, vector<16xf32>,
              %swap3A_362 = vector.shape_cast %swap3A_361 : vector<16xf32> to vector<16xf32>
              %swap3A_363 = vector.shape_cast %get3A_308 : vector<16xf32> to vector<16xf32>
              tpu.vector_store %arg7[%swap3A_360], %swap3A_363 {strides = array<i32>} : memref<32768xf32, #tpu.memory_space<vmem>>, vector<16xf32>,
              %mul3A_364 = arith.constant 2 : i32
              %mul3A_365 = arith.muli %mul3A_364, %scan3A_351 : i32
              %add3A_366 = arith.constant 0 : i32
              %add3A_367 = arith.addi %mul3A_365, %add3A_366 : i32
              %mul3A_368 = arith.constant 128 : i32
              %mul3A_369 = arith.muli %add3A_367, %mul3A_368 : i32
              %add3A_370 = arith.constant 16 : i32
              %add3A_371 = arith.addi %mul3A_369, %add3A_370 : i32
              %swap3A_372 = arith.index_cast %add3A_371 : i32 to index
              %swap3A_373 = tpu.vector_load %arg7[%swap3A_372] {strides = array<i32>} : memref<32768xf32, #tpu.memory_space<vmem>>, vector<16xf32>,
              %swap3A_374 = vector.shape_cast %swap3A_373 : vector<16xf32> to vector<16xf32>
              %swap3A_375 = vector.shape_cast %get3A_313 : vector<16xf32> to vector<16xf32>
              tpu.vector_store %arg7[%swap3A_372], %swap3A_375 {strides = array<i32>} : memref<32768xf32, #tpu.memory_space<vmem>>, vector<16xf32>,
              %mul3A_376 = arith.constant 2 : i32
              %mul3A_377 = arith.muli %mul3A_376, %scan3A_351 : i32
              %add3A_378 = arith.constant 0 : i32
              %add3A_379 = arith.addi %mul3A_377, %add3A_378 : i32
              %mul3A_380 = arith.constant 128 : i32
              %mul3A_381 = arith.muli %add3A_379, %mul3A_380 : i32
              %add3A_382 = arith.constant 32 : i32
              %add3A_383 = arith.addi %mul3A_381, %add3A_382 : i32
              %swap3A_384 = arith.index_cast %add3A_383 : i32 to index
              %swap3A_385 = tpu.vector_load %arg7[%swap3A_384] {strides = array<i32>} : memref<32768xf32, #tpu.memory_space<vmem>>, vector<16xf32>,
              %swap3A_386 = vector.shape_cast %swap3A_385 : vector<16xf32> to vector<16xf32>
              %swap3A_387 = vector.shape_cast %get3A_318 : vector<16xf32> to vector<16xf32>
              tpu.vector_store %arg7[%swap3A_384], %swap3A_387 {strides = array<i32>} : memref<32768xf32, #tpu.memory_space<vmem>>, vector<16xf32>,
              %mul3A_388 = arith.constant 2 : i32
              %mul3A_389 = arith.muli %mul3A_388, %scan3A_351 : i32
              %add3A_390 = arith.constant 0 : i32
              %add3A_391 = arith.addi %mul3A_389, %add3A_390 : i32
              %mul3A_392 = arith.constant 128 : i32
              %mul3A_393 = arith.muli %add3A_391, %mul3A_392 : i32
              %add3A_394 = arith.constant 48 : i32
              %add3A_395 = arith.addi %mul3A_393, %add3A_394 : i32
              %swap3A_396 = arith.index_cast %add3A_395 : i32 to index
              %swap3A_397 = tpu.vector_load %arg7[%swap3A_396] {strides = array<i32>} : memref<32768xf32, #tpu.memory_space<vmem>>, vector<16xf32>,
              %swap3A_398 = vector.shape_cast %swap3A_397 : vector<16xf32> to vector<16xf32>
              %swap3A_399 = vector.shape_cast %get3A_323 : vector<16xf32> to vector<16xf32>
              tpu.vector_store %arg7[%swap3A_396], %swap3A_399 {strides = array<i32>} : memref<32768xf32, #tpu.memory_space<vmem>>, vector<16xf32>,
              %mul3A_400 = arith.constant 2 : i32
              %mul3A_401 = arith.muli %mul3A_400, %scan3A_351 : i32
              %add3A_402 = arith.constant 0 : i32
              %add3A_403 = arith.addi %mul3A_401, %add3A_402 : i32
              %mul3A_404 = arith.constant 128 : i32
              %mul3A_405 = arith.muli %add3A_403, %mul3A_404 : i32
              %add3A_406 = arith.constant 64 : i32
              %add3A_407 = arith.addi %mul3A_405, %add3A_406 : i32
              %swap3A_408 = arith.index_cast %add3A_407 : i32 to index
              %swap3A_409 = tpu.vector_load %arg7[%swap3A_408] {strides = array<i32>} : memref<32768xf32, #tpu.memory_space<vmem>>, vector<16xf32>,
              %swap3A_410 = vector.shape_cast %swap3A_409 : vector<16xf32> to vector<16xf32>
              %swap3A_411 = vector.shape_cast %get3A_328 : vector<16xf32> to vector<16xf32>
              tpu.vector_store %arg7[%swap3A_408], %swap3A_411 {strides = array<i32>} : memref<32768xf32, #tpu.memory_space<vmem>>, vector<16xf32>,
              %mul3A_412 = arith.constant 2 : i32
              %mul3A_413 = arith.muli %mul3A_412, %scan3A_351 : i32
              %add3A_414 = arith.constant 0 : i32
              %add3A_415 = arith.addi %mul3A_413, %add3A_414 : i32
              %mul3A_416 = arith.constant 128 : i32
              %mul3A_417 = arith.muli %add3A_415, %mul3A_416 : i32
              %add3A_418 = arith.constant 80 : i32
              %add3A_419 = arith.addi %mul3A_417, %add3A_418 : i32
              %swap3A_420 = arith.index_cast %add3A_419 : i32 to index
              %swap3A_421 = tpu.vector_load %arg7[%swap3A_420] {strides = array<i32>} : memref<32768xf32, #tpu.memory_space<vmem>>, vector<16xf32>,
              %swap3A_422 = vector.shape_cast %swap3A_421 : vector<16xf32> to vector<16xf32>
              %swap3A_423 = vector.shape_cast %get3A_333 : vector<16xf32> to vector<16xf32>
              tpu.vector_store %arg7[%swap3A_420], %swap3A_423 {strides = array<i32>} : memref<32768xf32, #tpu.memory_space<vmem>>, vector<16xf32>,
              %mul3A_424 = arith.constant 2 : i32
              %mul3A_425 = arith.muli %mul3A_424, %scan3A_351 : i32
              %add3A_426 = arith.constant 0 : i32
              %add3A_427 = arith.addi %mul3A_425, %add3A_426 : i32
              %mul3A_428 = arith.constant 128 : i32
              %mul3A_429 = arith.muli %add3A_427, %mul3A_428 : i32
              %add3A_430 = arith.constant 96 : i32
              %add3A_431 = arith.addi %mul3A_429, %add3A_430 : i32
              %swap3A_432 = arith.index_cast %add3A_431 : i32 to index
              %swap3A_433 = tpu.vector_load %arg7[%swap3A_432] {strides = array<i32>} : memref<32768xf32, #tpu.memory_space<vmem>>, vector<16xf32>,
              %swap3A_434 = vector.shape_cast %swap3A_433 : vector<16xf32> to vector<16xf32>
              %swap3A_435 = vector.shape_cast %get3A_338 : vector<16xf32> to vector<16xf32>
              tpu.vector_store %arg7[%swap3A_432], %swap3A_435 {strides = array<i32>} : memref<32768xf32, #tpu.memory_space<vmem>>, vector<16xf32>,
              %mul3A_436 = arith.constant 2 : i32
              %mul3A_437 = arith.muli %mul3A_436, %scan3A_351 : i32
              %add3A_438 = arith.constant 0 : i32
              %add3A_439 = arith.addi %mul3A_437, %add3A_438 : i32
              %mul3A_440 = arith.constant 128 : i32
              %mul3A_441 = arith.muli %add3A_439, %mul3A_440 : i32
              %add3A_442 = arith.constant 112 : i32
              %add3A_443 = arith.addi %mul3A_441, %add3A_442 : i32
              %swap3A_444 = arith.index_cast %add3A_443 : i32 to index
              %swap3A_445 = tpu.vector_load %arg7[%swap3A_444] {strides = array<i32>} : memref<32768xf32, #tpu.memory_space<vmem>>, vector<16xf32>,
              %swap3A_446 = vector.shape_cast %swap3A_445 : vector<16xf32> to vector<16xf32>
              %swap3A_447 = vector.shape_cast %get3A_343 : vector<16xf32> to vector<16xf32>
              tpu.vector_store %arg7[%swap3A_444], %swap3A_447 {strides = array<i32>} : memref<32768xf32, #tpu.memory_space<vmem>>, vector<16xf32>,
              %mul3A_448 = arith.constant 2 : i32
              %mul3A_449 = arith.muli %mul3A_448, %scan3A_351 : i32
              %add3A_450 = arith.constant 1 : i32
              %add3A_451 = arith.addi %mul3A_449, %add3A_450 : i32
              %mul3A_452 = arith.constant 128 : i32
              %mul3A_453 = arith.muli %add3A_451, %mul3A_452 : i32
              %add3A_454 = arith.constant 0 : i32
              %add3A_455 = arith.addi %mul3A_453, %add3A_454 : i32
              %swap3A_456 = arith.index_cast %add3A_455 : i32 to index
              %swap3A_457 = tpu.vector_load %arg7[%swap3A_456] {strides = array<i32>} : memref<32768xf32, #tpu.memory_space<vmem>>, vector<16xf32>,
              %swap3A_458 = vector.shape_cast %swap3A_457 : vector<16xf32> to vector<16xf32>
              %swap3A_459 = vector.shape_cast %get3A_308 : vector<16xf32> to vector<16xf32>
              tpu.vector_store %arg7[%swap3A_456], %swap3A_459 {strides = array<i32>} : memref<32768xf32, #tpu.memory_space<vmem>>, vector<16xf32>,
              %mul3A_460 = arith.constant 2 : i32
              %mul3A_461 = arith.muli %mul3A_460, %scan3A_351 : i32
              %add3A_462 = arith.constant 1 : i32
              %add3A_463 = arith.addi %mul3A_461, %add3A_462 : i32
              %mul3A_464 = arith.constant 128 : i32
              %mul3A_465 = arith.muli %add3A_463, %mul3A_464 : i32
              %add3A_466 = arith.constant 16 : i32
              %add3A_467 = arith.addi %mul3A_465, %add3A_466 : i32
              %swap3A_468 = arith.index_cast %add3A_467 : i32 to index
              %swap3A_469 = tpu.vector_load %arg7[%swap3A_468] {strides = array<i32>} : memref<32768xf32, #tpu.memory_space<vmem>>, vector<16xf32>,
              %swap3A_470 = vector.shape_cast %swap3A_469 : vector<16xf32> to vector<16xf32>
              %swap3A_471 = vector.shape_cast %get3A_313 : vector<16xf32> to vector<16xf32>
              tpu.vector_store %arg7[%swap3A_468], %swap3A_471 {strides = array<i32>} : memref<32768xf32, #tpu.memory_space<vmem>>, vector<16xf32>,
              %mul3A_472 = arith.constant 2 : i32
              %mul3A_473 = arith.muli %mul3A_472, %scan3A_351 : i32
              %add3A_474 = arith.constant 1 : i32
              %add3A_475 = arith.addi %mul3A_473, %add3A_474 : i32
              %mul3A_476 = arith.constant 128 : i32
              %mul3A_477 = arith.muli %add3A_475, %mul3A_476 : i32
              %add3A_478 = arith.constant 32 : i32
              %add3A_479 = arith.addi %mul3A_477, %add3A_478 : i32
              %swap3A_480 = arith.index_cast %add3A_479 : i32 to index
              %swap3A_481 = tpu.vector_load %arg7[%swap3A_480] {strides = array<i32>} : memref<32768xf32, #tpu.memory_space<vmem>>, vector<16xf32>,
              %swap3A_482 = vector.shape_cast %swap3A_481 : vector<16xf32> to vector<16xf32>
              %swap3A_483 = vector.shape_cast %get3A_318 : vector<16xf32> to vector<16xf32>
              tpu.vector_store %arg7[%swap3A_480], %swap3A_483 {strides = array<i32>} : memref<32768xf32, #tpu.memory_space<vmem>>, vector<16xf32>,
              %mul3A_484 = arith.constant 2 : i32
              %mul3A_485 = arith.muli %mul3A_484, %scan3A_351 : i32
              %add3A_486 = arith.constant 1 : i32
              %add3A_487 = arith.addi %mul3A_485, %add3A_486 : i32
              %mul3A_488 = arith.constant 128 : i32
              %mul3A_489 = arith.muli %add3A_487, %mul3A_488 : i32
              %add3A_490 = arith.constant 48 : i32
              %add3A_491 = arith.addi %mul3A_489, %add3A_490 : i32
              %swap3A_492 = arith.index_cast %add3A_491 : i32 to index
              %swap3A_493 = tpu.vector_load %arg7[%swap3A_492] {strides = array<i32>} : memref<32768xf32, #tpu.memory_space<vmem>>, vector<16xf32>,
              %swap3A_494 = vector.shape_cast %swap3A_493 : vector<16xf32> to vector<16xf32>
              %swap3A_495 = vector.shape_cast %get3A_323 : vector<16xf32> to vector<16xf32>
              tpu.vector_store %arg7[%swap3A_492], %swap3A_495 {strides = array<i32>} : memref<32768xf32, #tpu.memory_space<vmem>>, vector<16xf32>,
              %mul3A_496 = arith.constant 2 : i32
              %mul3A_497 = arith.muli %mul3A_496, %scan3A_351 : i32
              %add3A_498 = arith.constant 1 : i32
              %add3A_499 = arith.addi %mul3A_497, %add3A_498 : i32
              %mul3A_500 = arith.constant 128 : i32
              %mul3A_501 = arith.muli %add3A_499, %mul3A_500 : i32
              %add3A_502 = arith.constant 64 : i32
              %add3A_503 = arith.addi %mul3A_501, %add3A_502 : i32
              %swap3A_504 = arith.index_cast %add3A_503 : i32 to index
              %swap3A_505 = tpu.vector_load %arg7[%swap3A_504] {strides = array<i32>} : memref<32768xf32, #tpu.memory_space<vmem>>, vector<16xf32>,
              %swap3A_506 = vector.shape_cast %swap3A_505 : vector<16xf32> to vector<16xf32>
              %swap3A_507 = vector.shape_cast %get3A_328 : vector<16xf32> to vector<16xf32>
              tpu.vector_store %arg7[%swap3A_504], %swap3A_507 {strides = array<i32>} : memref<32768xf32, #tpu.memory_space<vmem>>, vector<16xf32>,
              %mul3A_508 = arith.constant 2 : i32
              %mul3A_509 = arith.muli %mul3A_508, %scan3A_351 : i32
              %add3A_510 = arith.constant 1 : i32
              %add3A_511 = arith.addi %mul3A_509, %add3A_510 : i32
              %mul3A_512 = arith.constant 128 : i32
              %mul3A_513 = arith.muli %add3A_511, %mul3A_512 : i32
              %add3A_514 = arith.constant 80 : i32
              %add3A_515 = arith.addi %mul3A_513, %add3A_514 : i32
              %swap3A_516 = arith.index_cast %add3A_515 : i32 to index
              %swap3A_517 = tpu.vector_load %arg7[%swap3A_516] {strides = array<i32>} : memref<32768xf32, #tpu.memory_space<vmem>>, vector<16xf32>,
              %swap3A_518 = vector.shape_cast %swap3A_517 : vector<16xf32> to vector<16xf32>
              %swap3A_519 = vector.shape_cast %get3A_333 : vector<16xf32> to vector<16xf32>
              tpu.vector_store %arg7[%swap3A_516], %swap3A_519 {strides = array<i32>} : memref<32768xf32, #tpu.memory_space<vmem>>, vector<16xf32>,
              %mul3A_520 = arith.constant 2 : i32
              %mul3A_521 = arith.muli %mul3A_520, %scan3A_351 : i32
              %add3A_522 = arith.constant 1 : i32
              %add3A_523 = arith.addi %mul3A_521, %add3A_522 : i32
              %mul3A_524 = arith.constant 128 : i32
              %mul3A_525 = arith.muli %add3A_523, %mul3A_524 : i32
              %add3A_526 = arith.constant 96 : i32
              %add3A_527 = arith.addi %mul3A_525, %add3A_526 : i32
              %swap3A_528 = arith.index_cast %add3A_527 : i32 to index
              %swap3A_529 = tpu.vector_load %arg7[%swap3A_528] {strides = array<i32>} : memref<32768xf32, #tpu.memory_space<vmem>>, vector<16xf32>,
              %swap3A_530 = vector.shape_cast %swap3A_529 : vector<16xf32> to vector<16xf32>
              %swap3A_531 = vector.shape_cast %get3A_338 : vector<16xf32> to vector<16xf32>
              tpu.vector_store %arg7[%swap3A_528], %swap3A_531 {strides = array<i32>} : memref<32768xf32, #tpu.memory_space<vmem>>, vector<16xf32>,
              %mul3A_532 = arith.constant 2 : i32
              %mul3A_533 = arith.muli %mul3A_532, %scan3A_351 : i32
              %add3A_534 = arith.constant 1 : i32
              %add3A_535 = arith.addi %mul3A_533, %add3A_534 : i32
              %mul3A_536 = arith.constant 128 : i32
              %mul3A_537 = arith.muli %add3A_535, %mul3A_536 : i32
              %add3A_538 = arith.constant 112 : i32
              %add3A_539 = arith.addi %mul3A_537, %add3A_538 : i32
              %swap3A_540 = arith.index_cast %add3A_539 : i32 to index
              %swap3A_541 = tpu.vector_load %arg7[%swap3A_540] {strides = array<i32>} : memref<32768xf32, #tpu.memory_space<vmem>>, vector<16xf32>,
              %swap3A_542 = vector.shape_cast %swap3A_541 : vector<16xf32> to vector<16xf32>
              %swap3A_543 = vector.shape_cast %get3A_343 : vector<16xf32> to vector<16xf32>
              tpu.vector_store %arg7[%swap3A_540], %swap3A_543 {strides = array<i32>} : memref<32768xf32, #tpu.memory_space<vmem>>, vector<16xf32>,
            }
            %scan3A_349 = arith.constant 128 : i32
            %cond3A_350 = arith.constant 0 : i32
            scf.yield %cond3A_350 : i32
          } else {
            %cond3A_299 = arith.constant 0 : i32
            scf.yield %cond3A_299 : i32
          }
          %lt3A_285 = arith.constant 16384 : i32
          %lt3A_286 = arith.cmpi slt, %add3A_261, %lt3A_285 : i32
          %convert_element_type3A_287 = arith.extui %lt3A_286 : i1 to i32
          %cond3A_288 = arith.constant 0 : i32
          %cond3A_289 = arith.constant 0 : i32
          %cond3A_290 = arith.cmpi ne, %convert_element_type3A_287, %cond3A_289 : i32
          %cond3A_291 = scf.if %cond3A_290 -> (i32) {
            %get3A_299 = arith.index_cast %add3A_261 : i32 to index
            %get3A_300 = tpu.vector_load %arg5[%get3A_299] {strides = array<i32>} : memref<16400xi32, #tpu.memory_space<vmem>>, vector<16xi32>,
            %get3A_301 = vector.shape_cast %get3A_300 : vector<16xi32> to vector<16xi32>
            %slice3A_302 = vector.extract_strided_slice %get3A_301 {offsets = [0], sizes = [1], strides = [1]} : vector<16xi32> to vector<1xi32>
            %squeeze3A_303 = vector.extract %slice3A_302[0] : i32 from vector<1xi32>
            %broadcast_in_dim3A_304 = vector.broadcast %squeeze3A_303 : i32 to vector<16xi32>
            %dma_start3A_305 = arith.constant 0 : i32
            %dma_start3A_306 = arith.constant 0 : i32
            %dma_start3A_307 = tpu.memref_slice %arg2[%dma_start3A_305, %dma_start3A_306] : memref<32x128xf32, #tpu.memory_space<hbm>> -> memref<32x128xf32, #tpu.memory_space<hbm>>
            tpu.enqueue_indirect_dma source(%dma_start3A_307 : memref<32x128xf32, #tpu.memory_space<hbm>>) target(%arg8 : memref<16x128xf32, #tpu.memory_space<vmem>>) offsets(%broadcast_in_dim3A_304 : vector<16xi32>) semaphore(%arg10 : memref<!tpu.dma_semaphore, #tpu.memory_space<semaphore_mem>>)
            %cond3A_308 = arith.constant 0 : i32
            scf.yield %cond3A_308 : i32
          } else {
            %cond3A_299 = arith.constant 0 : i32
            scf.yield %cond3A_299 : i32
          }
          %sub3A_292 = arith.subi %add3A_261, %scan3A_107 : i32
          %ge3A = arith.constant 256 : i32
          %ge3A_293 = arith.cmpi sge, %sub3A_292, %ge3A : i32
          %convert_element_type3A_294 = arith.extui %ge3A_293 : i1 to i32
          %cond3A_295 = arith.constant 0 : i32
          %cond3A_296 = arith.constant 0 : i32
          %cond3A_297 = arith.cmpi ne, %convert_element_type3A_294, %cond3A_296 : i32
          %cond3A_298 = scf.if %cond3A_297 -> (i32) {
            %jit3A_299 = arith.constant 256 : i32
            %div3A_300 = arith.divsi %sub3A_292, %jit3A_299 : i32
            %sign3A_301 = arith.constant 0 : i32
            %sign3A_302 = arith.cmpi sgt, %sub3A_292, %sign3A_301 : i32
            %sign3A_303 = arith.extui %sign3A_302 : i1 to i32
            %sign3A_304 = arith.constant 0 : i32
            %sign3A_305 = arith.cmpi slt, %sub3A_292, %sign3A_304 : i32
            %sign3A_306 = arith.extui %sign3A_305 : i1 to i32
            %sign3A_307 = arith.subi %sign3A_303, %sign3A_306 : i32
            %sign3A_308 = arith.constant 0 : i32
            %sign3A_309 = arith.cmpi sgt, %jit3A_299, %sign3A_308 : i32
            %sign3A_310 = arith.extui %sign3A_309 : i1 to i32
            %sign3A_311 = arith.constant 0 : i32
            %sign3A_312 = arith.cmpi slt, %jit3A_299, %sign3A_311 : i32
            %sign3A_313 = arith.extui %sign3A_312 : i1 to i32
            %sign3A_314 = arith.subi %sign3A_310, %sign3A_313 : i32
            %ne3A_315 = arith.cmpi ne, %sign3A_307, %sign3A_314 : i32
            %rem3A_316 = arith.remsi %sub3A_292, %jit3A_299 : i32
            %ne3A_317 = arith.constant 0 : i32
            %ne3A_318 = arith.cmpi ne, %rem3A_316, %ne3A_317 : i32
            %and3A_319 = arith.andi %ne3A_315, %ne3A_318 : i1
            %sub3A_320 = arith.constant 1 : i32
            %sub3A_321 = arith.subi %div3A_300, %sub3A_320 : i32
            %select_n3A_322 = arith.select %and3A_319, %sub3A_321, %div3A_300 : i32
            %while3A_323 = arith.constant 0 : i32
            %while3A_324 = arith.subi %select_n3A_322, %while3A_323 : i32
            %while3A_325 = arith.addi %while3A_323, %while3A_324 : i32
            %while3A_326 = arith.constant 1 : i32
            %while3A_327 = arith.divsi %while3A_324, %while3A_326 : i32
            %while3A_328 = arith.muli %while3A_327, %while3A_326 : i32
            %while3A_329 = arith.addi %while3A_323, %while3A_328 : i32
            %while3A_330 = arith.constant 1 : i32
            %while3A_331 = scf.for %while3A_356 = %while3A_323 to %while3A_329 step %while3A_330 iter_args(%while3A_357 = %cond3A_295) -> (i32)  : i32 {
              %mul3A_358 = arith.constant 256 : i32
              %mul3A_359 = arith.muli %while3A_356, %mul3A_358 : i32
              %add3A_360 = arith.addi %scan3A_107, %mul3A_359 : i32
              %ge3A_361 = arith.constant 8 : i32
              %ge3A_362 = arith.cmpi sge, %while3A_357, %ge3A_361 : i32
              %convert_element_type3A_363 = arith.extui %ge3A_362 : i1 to i32
              %cond3A_364 = arith.constant 0 : i32
              %cond3A_365 = arith.cmpi ne, %convert_element_type3A_363, %cond3A_364 : i32
              %cond3A_366 = scf.if %cond3A_365 -> (i32) {
                %mul3A_374 = arith.constant 128 : i32
                %mul3A_375 = arith.muli %mul3A_2, %mul3A_374 : i32
                %dma_wait3A_376 = tpu.memref_slice %arg4[%mul3A_375] : memref<67108864xf32, #tpu.memory_space<hbm>> -> memref<32768xf32, #tpu.memory_space<hbm>>
                %dma_wait3A_377 = tpu.memref_slice %arg4[%mul3A_375] : memref<67108864xf32, #tpu.memory_space<hbm>> -> memref<32768xf32, #tpu.memory_space<hbm>>
                tpu.wait_dma2 semaphore(%arg13 : memref<!tpu.dma_semaphore, #tpu.memory_space<semaphore_mem>>) src(%arg7 : memref<32768xf32, #tpu.memory_space<vmem>>) dst(%dma_wait3A_377 : memref<32768xf32, #tpu.memory_space<hbm>>)
                %sub3A_378 = arith.constant 1 : i32
                %sub3A_379 = arith.subi %while3A_357, %sub3A_378 : i32
                scf.yield %sub3A_379 : i32
              } else {
                scf.yield %while3A_357 : i32
              }
              %add3A_367 = arith.addi %mul3A_2, %add3A_360 : i32
              %mul3A_368 = arith.constant 128 : i32
              %mul3A_369 = arith.muli %add3A_367, %mul3A_368 : i32
              %dma_start3A_370 = tpu.memref_slice %arg4[%mul3A_369] : memref<67108864xf32, #tpu.memory_space<hbm>> -> memref<32768xf32, #tpu.memory_space<hbm>>
              %dma_start3A_371 = tpu.memref_slice %arg4[%mul3A_369] : memref<67108864xf32, #tpu.memory_space<hbm>> -> memref<32768xf32, #tpu.memory_space<hbm>>
              tpu.enqueue_dma source(%arg7 : memref<32768xf32, #tpu.memory_space<vmem>>) target(%dma_start3A_371 : memref<32768xf32, #tpu.memory_space<hbm>>) target_semaphore(%arg13 : memref<!tpu.dma_semaphore, #tpu.memory_space<semaphore_mem>>)
              %add3A_372 = arith.constant 1 : i32
              %add3A_373 = arith.addi %cond3A_366, %add3A_372 : i32
              scf.yield %add3A_373 : i32
            }
            %while3A_332 = arith.constant 1 : i32
            %while3A_333 = scf.for %while3A_356 = %while3A_329 to %while3A_325 step %while3A_332 iter_args(%while3A_357 = %while3A_331) -> (i32)  : i32 {
              %mul3A_358 = arith.constant 256 : i32
              %mul3A_359 = arith.muli %while3A_356, %mul3A_358 : i32
              %add3A_360 = arith.addi %scan3A_107, %mul3A_359 : i32
              %ge3A_361 = arith.constant 8 : i32
              %ge3A_362 = arith.cmpi sge, %while3A_357, %ge3A_361 : i32
              %convert_element_type3A_363 = arith.extui %ge3A_362 : i1 to i32
              %cond3A_364 = arith.constant 0 : i32
              %cond3A_365 = arith.cmpi ne, %convert_element_type3A_363, %cond3A_364 : i32
              %cond3A_366 = scf.if %cond3A_365 -> (i32) {
                %mul3A_374 = arith.constant 128 : i32
                %mul3A_375 = arith.muli %mul3A_2, %mul3A_374 : i32
                %dma_wait3A_376 = tpu.memref_slice %arg4[%mul3A_375] : memref<67108864xf32, #tpu.memory_space<hbm>> -> memref<32768xf32, #tpu.memory_space<hbm>>
                %dma_wait3A_377 = tpu.memref_slice %arg4[%mul3A_375] : memref<67108864xf32, #tpu.memory_space<hbm>> -> memref<32768xf32, #tpu.memory_space<hbm>>
                tpu.wait_dma2 semaphore(%arg13 : memref<!tpu.dma_semaphore, #tpu.memory_space<semaphore_mem>>) src(%arg7 : memref<32768xf32, #tpu.memory_space<vmem>>) dst(%dma_wait3A_377 : memref<32768xf32, #tpu.memory_space<hbm>>)
                %sub3A_378 = arith.constant 1 : i32
                %sub3A_379 = arith.subi %while3A_357, %sub3A_378 : i32
                scf.yield %sub3A_379 : i32
              } else {
                scf.yield %while3A_357 : i32
              }
              %add3A_367 = arith.addi %mul3A_2, %add3A_360 : i32
              %mul3A_368 = arith.constant 128 : i32
              %mul3A_369 = arith.muli %add3A_367, %mul3A_368 : i32
              %dma_start3A_370 = tpu.memref_slice %arg4[%mul3A_369] : memref<67108864xf32, #tpu.memory_space<hbm>> -> memref<32768xf32, #tpu.memory_space<hbm>>
              %dma_start3A_371 = tpu.memref_slice %arg4[%mul3A_369] : memref<67108864xf32, #tpu.memory_space<hbm>> -> memref<32768xf32, #tpu.memory_space<hbm>>
              tpu.enqueue_dma source(%arg7 : memref<32768xf32, #tpu.memory_space<vmem>>) target(%dma_start3A_371 : memref<32768xf32, #tpu.memory_space<hbm>>) target_semaphore(%arg13 : memref<!tpu.dma_semaphore, #tpu.memory_space<semaphore_mem>>)
              %add3A_372 = arith.constant 1 : i32
              %add3A_373 = arith.addi %cond3A_366, %add3A_372 : i32
              scf.yield %add3A_373 : i32
            }
            %jit3A_334 = arith.constant 256 : i32
            %eq3A_335 = arith.constant 0 : i32
            %eq3A_336 = arith.cmpi eq, %jit3A_334, %eq3A_335 : i32
            %jit3A_337 = arith.constant 1 : i32
            %select_n3A_338 = arith.select %eq3A_336, %jit3A_337, %jit3A_334 : i32
            %rem3A_339 = arith.remsi %sub3A_292, %select_n3A_338 : i32
            %ne3A_340 = arith.constant 0 : i32
            %ne3A_341 = arith.cmpi ne, %rem3A_339, %ne3A_340 : i32
            %lt3A_342 = arith.constant 0 : i32
            %lt3A_343 = arith.cmpi slt, %rem3A_339, %lt3A_342 : i32
            %lt3A_344 = arith.constant 0 : i32
            %lt3A_345 = arith.cmpi slt, %select_n3A_338, %lt3A_344 : i32
            %ne3A_346 = arith.xori %lt3A_343, %lt3A_345 : i1
            %and3A_347 = arith.andi %ne3A_346, %ne3A_341 : i1
            %add3A_348 = arith.addi %rem3A_339, %select_n3A_338 : i32
            %select_n3A_349 = arith.select %and3A_347, %add3A_348, %rem3A_339 : i32
            %gt3A_350 = arith.constant 0 : i32
            %gt3A_351 = arith.cmpi sgt, %select_n3A_349, %gt3A_350 : i32
            %convert_element_type3A_352 = arith.extui %gt3A_351 : i1 to i32
            %cond3A_353 = arith.constant 0 : i32
            %cond3A_354 = arith.cmpi ne, %convert_element_type3A_352, %cond3A_353 : i32
            %cond3A_355 = scf.if %cond3A_354 -> (i32) {
              %sub3A_356 = arith.constant 256 : i32
              %sub3A_357 = arith.subi %add3A_261, %sub3A_356 : i32
              %ge3A_358 = arith.constant 8 : i32
              %ge3A_359 = arith.cmpi sge, %while3A_333, %ge3A_358 : i32
              %convert_element_type3A_360 = arith.extui %ge3A_359 : i1 to i32
              %cond3A_361 = arith.constant 0 : i32
              %cond3A_362 = arith.cmpi ne, %convert_element_type3A_360, %cond3A_361 : i32
              %cond3A_363 = scf.if %cond3A_362 -> (i32) {
                %mul3A_371 = arith.constant 128 : i32
                %mul3A_372 = arith.muli %mul3A_2, %mul3A_371 : i32
                %dma_wait3A_373 = tpu.memref_slice %arg4[%mul3A_372] : memref<67108864xf32, #tpu.memory_space<hbm>> -> memref<32768xf32, #tpu.memory_space<hbm>>
                %dma_wait3A_374 = tpu.memref_slice %arg4[%mul3A_372] : memref<67108864xf32, #tpu.memory_space<hbm>> -> memref<32768xf32, #tpu.memory_space<hbm>>
                tpu.wait_dma2 semaphore(%arg13 : memref<!tpu.dma_semaphore, #tpu.memory_space<semaphore_mem>>) src(%arg7 : memref<32768xf32, #tpu.memory_space<vmem>>) dst(%dma_wait3A_374 : memref<32768xf32, #tpu.memory_space<hbm>>)
                %sub3A_375 = arith.constant 1 : i32
                %sub3A_376 = arith.subi %while3A_333, %sub3A_375 : i32
                scf.yield %sub3A_376 : i32
              } else {
                scf.yield %while3A_333 : i32
              }
              %add3A_364 = arith.addi %mul3A_2, %sub3A_357 : i32
              %mul3A_365 = arith.constant 128 : i32
              %mul3A_366 = arith.muli %add3A_364, %mul3A_365 : i32
              %dma_start3A_367 = tpu.memref_slice %arg4[%mul3A_366] : memref<67108864xf32, #tpu.memory_space<hbm>> -> memref<32768xf32, #tpu.memory_space<hbm>>
              %dma_start3A_368 = tpu.memref_slice %arg4[%mul3A_366] : memref<67108864xf32, #tpu.memory_space<hbm>> -> memref<32768xf32, #tpu.memory_space<hbm>>
              tpu.enqueue_dma source(%arg7 : memref<32768xf32, #tpu.memory_space<vmem>>) target(%dma_start3A_368 : memref<32768xf32, #tpu.memory_space<hbm>>) target_semaphore(%arg13 : memref<!tpu.dma_semaphore, #tpu.memory_space<semaphore_mem>>)
              %add3A_369 = arith.constant 1 : i32
              %add3A_370 = arith.addi %cond3A_363, %add3A_369 : i32
              scf.yield %add3A_370 : i32
            } else {
              scf.yield %while3A_333 : i32
            }
            scf.yield %cond3A_355 : i32
          } else {
            %jit3A_299 = arith.constant 16 : i32
            %div3A_300 = arith.divsi %sub3A_292, %jit3A_299 : i32
            %sign3A_301 = arith.constant 0 : i32
            %sign3A_302 = arith.cmpi sgt, %sub3A_292, %sign3A_301 : i32
            %sign3A_303 = arith.extui %sign3A_302 : i1 to i32
            %sign3A_304 = arith.constant 0 : i32
            %sign3A_305 = arith.cmpi slt, %sub3A_292, %sign3A_304 : i32
            %sign3A_306 = arith.extui %sign3A_305 : i1 to i32
            %sign3A_307 = arith.subi %sign3A_303, %sign3A_306 : i32
            %sign3A_308 = arith.constant 0 : i32
            %sign3A_309 = arith.cmpi sgt, %jit3A_299, %sign3A_308 : i32
            %sign3A_310 = arith.extui %sign3A_309 : i1 to i32
            %sign3A_311 = arith.constant 0 : i32
            %sign3A_312 = arith.cmpi slt, %jit3A_299, %sign3A_311 : i32
            %sign3A_313 = arith.extui %sign3A_312 : i1 to i32
            %sign3A_314 = arith.subi %sign3A_310, %sign3A_313 : i32
            %ne3A_315 = arith.cmpi ne, %sign3A_307, %sign3A_314 : i32
            %rem3A_316 = arith.remsi %sub3A_292, %jit3A_299 : i32
            %ne3A_317 = arith.constant 0 : i32
            %ne3A_318 = arith.cmpi ne, %rem3A_316, %ne3A_317 : i32
            %and3A_319 = arith.andi %ne3A_315, %ne3A_318 : i1
            %sub3A_320 = arith.constant 1 : i32
            %sub3A_321 = arith.subi %div3A_300, %sub3A_320 : i32
            %select_n3A_322 = arith.select %and3A_319, %sub3A_321, %div3A_300 : i32
            %while3A_323 = arith.constant 0 : i32
            %while3A_324 = arith.constant 0 : i32
            %while3A_325 = arith.subi %select_n3A_322, %while3A_324 : i32
            %while3A_326 = arith.addi %while3A_324, %while3A_325 : i32
            %while3A_327 = arith.constant 1 : i32
            %while3A_328 = arith.divsi %while3A_325, %while3A_327 : i32
            %while3A_329 = arith.muli %while3A_328, %while3A_327 : i32
            %while3A_330 = arith.addi %while3A_324, %while3A_329 : i32
            %while3A_331 = arith.constant 1 : i32
            scf.for %while3A_355 = %while3A_324 to %while3A_330 step %while3A_331  : i32 {
              %mul3A_356 = arith.constant 16 : i32
              %mul3A_357 = arith.muli %mul3A_356, %while3A_355 : i32
              %add3A_358 = arith.addi %scan3A_107, %mul3A_357 : i32
              %add3A_359 = arith.addi %mul3A_2, %add3A_358 : i32
              %mul3A_360 = arith.constant 128 : i32
              %mul3A_361 = arith.muli %add3A_359, %mul3A_360 : i32
              %dma_start3A_362 = arith.constant 0 : i32
              %dma_start3A_363 = tpu.memref_slice %arg7[%dma_start3A_362] : memref<32768xf32, #tpu.memory_space<vmem>> -> memref<2048xf32, #tpu.memory_space<vmem>>
              %dma_start3A_364 = tpu.memref_slice %arg4[%mul3A_361] : memref<67108864xf32, #tpu.memory_space<hbm>> -> memref<2048xf32, #tpu.memory_space<hbm>>
              %dma_start3A_365 = tpu.memref_slice %arg4[%mul3A_361] : memref<67108864xf32, #tpu.memory_space<hbm>> -> memref<2048xf32, #tpu.memory_space<hbm>>
              %dma_start3A_366 = arith.constant 0 : i32
              %dma_start3A_367 = tpu.memref_slice %arg7[%dma_start3A_366] : memref<32768xf32, #tpu.memory_space<vmem>> -> memref<2048xf32, #tpu.memory_space<vmem>>
              tpu.enqueue_dma source(%dma_start3A_367 : memref<2048xf32, #tpu.memory_space<vmem>>) target(%dma_start3A_365 : memref<2048xf32, #tpu.memory_space<hbm>>) target_semaphore(%arg14 : memref<!tpu.dma_semaphore, #tpu.memory_space<semaphore_mem>>)
              %dma_wait3A_368 = arith.constant 0 : i32
              %dma_wait3A_369 = tpu.memref_slice %arg7[%dma_wait3A_368] : memref<32768xf32, #tpu.memory_space<vmem>> -> memref<2048xf32, #tpu.memory_space<vmem>>
              %dma_wait3A_370 = tpu.memref_slice %arg4[%mul3A_361] : memref<67108864xf32, #tpu.memory_space<hbm>> -> memref<2048xf32, #tpu.memory_space<hbm>>
              %dma_wait3A_371 = tpu.memref_slice %arg4[%mul3A_361] : memref<67108864xf32, #tpu.memory_space<hbm>> -> memref<2048xf32, #tpu.memory_space<hbm>>
              %dma_wait3A_372 = arith.constant 0 : i32
              %dma_wait3A_373 = tpu.memref_slice %arg7[%dma_wait3A_372] : memref<32768xf32, #tpu.memory_space<vmem>> -> memref<2048xf32, #tpu.memory_space<vmem>>
              tpu.wait_dma2 semaphore(%arg14 : memref<!tpu.dma_semaphore, #tpu.memory_space<semaphore_mem>>) src(%dma_wait3A_373 : memref<2048xf32, #tpu.memory_space<vmem>>) dst(%dma_wait3A_371 : memref<2048xf32, #tpu.memory_space<hbm>>)
            }
            %while3A_332 = arith.constant 1 : i32
            scf.for %while3A_355 = %while3A_330 to %while3A_326 step %while3A_332  : i32 {
              %mul3A_356 = arith.constant 16 : i32
              %mul3A_357 = arith.muli %mul3A_356, %while3A_355 : i32
              %add3A_358 = arith.addi %scan3A_107, %mul3A_357 : i32
              %add3A_359 = arith.addi %mul3A_2, %add3A_358 : i32
              %mul3A_360 = arith.constant 128 : i32
              %mul3A_361 = arith.muli %add3A_359, %mul3A_360 : i32
              %dma_start3A_362 = arith.constant 0 : i32
              %dma_start3A_363 = tpu.memref_slice %arg7[%dma_start3A_362] : memref<32768xf32, #tpu.memory_space<vmem>> -> memref<2048xf32, #tpu.memory_space<vmem>>
              %dma_start3A_364 = tpu.memref_slice %arg4[%mul3A_361] : memref<67108864xf32, #tpu.memory_space<hbm>> -> memref<2048xf32, #tpu.memory_space<hbm>>
              %dma_start3A_365 = tpu.memref_slice %arg4[%mul3A_361] : memref<67108864xf32, #tpu.memory_space<hbm>> -> memref<2048xf32, #tpu.memory_space<hbm>>
              %dma_start3A_366 = arith.constant 0 : i32
              %dma_start3A_367 = tpu.memref_slice %arg7[%dma_start3A_366] : memref<32768xf32, #tpu.memory_space<vmem>> -> memref<2048xf32, #tpu.memory_space<vmem>>
              tpu.enqueue_dma source(%dma_start3A_367 : memref<2048xf32, #tpu.memory_space<vmem>>) target(%dma_start3A_365 : memref<2048xf32, #tpu.memory_space<hbm>>) target_semaphore(%arg14 : memref<!tpu.dma_semaphore, #tpu.memory_space<semaphore_mem>>)
              %dma_wait3A_368 = arith.constant 0 : i32
              %dma_wait3A_369 = tpu.memref_slice %arg7[%dma_wait3A_368] : memref<32768xf32, #tpu.memory_space<vmem>> -> memref<2048xf32, #tpu.memory_space<vmem>>
              %dma_wait3A_370 = tpu.memref_slice %arg4[%mul3A_361] : memref<67108864xf32, #tpu.memory_space<hbm>> -> memref<2048xf32, #tpu.memory_space<hbm>>
              %dma_wait3A_371 = tpu.memref_slice %arg4[%mul3A_361] : memref<67108864xf32, #tpu.memory_space<hbm>> -> memref<2048xf32, #tpu.memory_space<hbm>>
              %dma_wait3A_372 = arith.constant 0 : i32
              %dma_wait3A_373 = tpu.memref_slice %arg7[%dma_wait3A_372] : memref<32768xf32, #tpu.memory_space<vmem>> -> memref<2048xf32, #tpu.memory_space<vmem>>
              tpu.wait_dma2 semaphore(%arg14 : memref<!tpu.dma_semaphore, #tpu.memory_space<semaphore_mem>>) src(%dma_wait3A_373 : memref<2048xf32, #tpu.memory_space<vmem>>) dst(%dma_wait3A_371 : memref<2048xf32, #tpu.memory_space<hbm>>)
            }
            %jit3A_333 = arith.constant 16 : i32
            %eq3A_334 = arith.constant 0 : i32
            %eq3A_335 = arith.cmpi eq, %jit3A_333, %eq3A_334 : i32
            %jit3A_336 = arith.constant 1 : i32
            %select_n3A_337 = arith.select %eq3A_335, %jit3A_336, %jit3A_333 : i32
            %rem3A_338 = arith.remsi %sub3A_292, %select_n3A_337 : i32
            %ne3A_339 = arith.constant 0 : i32
            %ne3A_340 = arith.cmpi ne, %rem3A_338, %ne3A_339 : i32
            %lt3A_341 = arith.constant 0 : i32
            %lt3A_342 = arith.cmpi slt, %rem3A_338, %lt3A_341 : i32
            %lt3A_343 = arith.constant 0 : i32
            %lt3A_344 = arith.cmpi slt, %select_n3A_337, %lt3A_343 : i32
            %ne3A_345 = arith.xori %lt3A_342, %lt3A_344 : i1
            %and3A_346 = arith.andi %ne3A_345, %ne3A_340 : i1
            %add3A_347 = arith.addi %rem3A_338, %select_n3A_337 : i32
            %select_n3A_348 = arith.select %and3A_346, %add3A_347, %rem3A_338 : i32
            %gt3A_349 = arith.constant 0 : i32
            %gt3A_350 = arith.cmpi sgt, %select_n3A_348, %gt3A_349 : i32
            %convert_element_type3A_351 = arith.extui %gt3A_350 : i1 to i32
            %cond3A_352 = arith.constant 0 : i32
            %cond3A_353 = arith.constant 0 : i32
            %cond3A_354 = arith.cmpi ne, %convert_element_type3A_351, %cond3A_353 : i32
            scf.if %cond3A_354 {
              %ge3A_355 = arith.constant 16 : i32
              %ge3A_356 = arith.cmpi sge, %sub3A_292, %ge3A_355 : i32
              %convert_element_type3A_357 = arith.extui %ge3A_356 : i1 to i32
              %cond3A_358 = arith.constant 0 : i32
              %cond3A_359 = arith.cmpi ne, %convert_element_type3A_357, %cond3A_358 : i32
              scf.if %cond3A_359 {
                %sub3A_360 = arith.constant 16 : i32
                %sub3A_361 = arith.subi %add3A_261, %sub3A_360 : i32
                %add3A_362 = arith.addi %mul3A_2, %sub3A_361 : i32
                %mul3A_363 = arith.constant 128 : i32
                %mul3A_364 = arith.muli %add3A_362, %mul3A_363 : i32
                %dma_start3A_365 = arith.constant 0 : i32
                %dma_start3A_366 = tpu.memref_slice %arg7[%dma_start3A_365] : memref<32768xf32, #tpu.memory_space<vmem>> -> memref<2048xf32, #tpu.memory_space<vmem>>
                %dma_start3A_367 = tpu.memref_slice %arg4[%mul3A_364] : memref<67108864xf32, #tpu.memory_space<hbm>> -> memref<2048xf32, #tpu.memory_space<hbm>>
                %dma_start3A_368 = tpu.memref_slice %arg4[%mul3A_364] : memref<67108864xf32, #tpu.memory_space<hbm>> -> memref<2048xf32, #tpu.memory_space<hbm>>
                %dma_start3A_369 = arith.constant 0 : i32
                %dma_start3A_370 = tpu.memref_slice %arg7[%dma_start3A_369] : memref<32768xf32, #tpu.memory_space<vmem>> -> memref<2048xf32, #tpu.memory_space<vmem>>
                tpu.enqueue_dma source(%dma_start3A_370 : memref<2048xf32, #tpu.memory_space<vmem>>) target(%dma_start3A_368 : memref<2048xf32, #tpu.memory_space<hbm>>) target_semaphore(%arg14 : memref<!tpu.dma_semaphore, #tpu.memory_space<semaphore_mem>>)
                %dma_wait3A_371 = arith.constant 0 : i32
                %dma_wait3A_372 = tpu.memref_slice %arg7[%dma_wait3A_371] : memref<32768xf32, #tpu.memory_space<vmem>> -> memref<2048xf32, #tpu.memory_space<vmem>>
                %dma_wait3A_373 = tpu.memref_slice %arg4[%mul3A_364] : memref<67108864xf32, #tpu.memory_space<hbm>> -> memref<2048xf32, #tpu.memory_space<hbm>>
                %dma_wait3A_374 = tpu.memref_slice %arg4[%mul3A_364] : memref<67108864xf32, #tpu.memory_space<hbm>> -> memref<2048xf32, #tpu.memory_space<hbm>>
                %dma_wait3A_375 = arith.constant 0 : i32
                %dma_wait3A_376 = tpu.memref_slice %arg7[%dma_wait3A_375] : memref<32768xf32, #tpu.memory_space<vmem>> -> memref<2048xf32, #tpu.memory_space<vmem>>
                tpu.wait_dma2 semaphore(%arg14 : memref<!tpu.dma_semaphore, #tpu.memory_space<semaphore_mem>>) src(%dma_wait3A_376 : memref<2048xf32, #tpu.memory_space<vmem>>) dst(%dma_wait3A_374 : memref<2048xf32, #tpu.memory_space<hbm>>)
              } else {
                %jit3A_360 = arith.constant 16 : i32
                %eq3A_361 = arith.constant 0 : i32
                %eq3A_362 = arith.cmpi eq, %jit3A_360, %eq3A_361 : i32
                %jit3A_363 = arith.constant 1 : i32
                %select_n3A_364 = arith.select %eq3A_362, %jit3A_363, %jit3A_360 : i32
                %rem3A_365 = arith.remsi %sub3A_292, %select_n3A_364 : i32
                %ne3A_366 = arith.constant 0 : i32
                %ne3A_367 = arith.cmpi ne, %rem3A_365, %ne3A_366 : i32
                %lt3A_368 = arith.constant 0 : i32
                %lt3A_369 = arith.cmpi slt, %rem3A_365, %lt3A_368 : i32
                %lt3A_370 = arith.constant 0 : i32
                %lt3A_371 = arith.cmpi slt, %select_n3A_364, %lt3A_370 : i32
                %ne3A_372 = arith.xori %lt3A_369, %lt3A_371 : i1
                %and3A_373 = arith.andi %ne3A_372, %ne3A_367 : i1
                %add3A_374 = arith.addi %rem3A_365, %select_n3A_364 : i32
                %select_n3A_375 = arith.select %and3A_373, %add3A_374, %rem3A_365 : i32
                %while3A_376 = arith.constant 0 : i32
                %while3A_377 = arith.subi %select_n3A_375, %while3A_376 : i32
                %while3A_378 = arith.addi %while3A_376, %while3A_377 : i32
                %while3A_379 = arith.constant 1 : i32
                %while3A_380 = arith.divsi %while3A_377, %while3A_379 : i32
                %while3A_381 = arith.muli %while3A_380, %while3A_379 : i32
                %while3A_382 = arith.addi %while3A_376, %while3A_381 : i32
                %while3A_383 = arith.constant 1 : i32
                scf.for %while3A_385 = %while3A_376 to %while3A_382 step %while3A_383  : i32 {
                  %mul3A_386 = arith.constant 16 : i32
                  %mul3A_387 = arith.muli %mul3A_386, %select_n3A_322 : i32
                  %add3A_388 = arith.addi %scan3A_107, %mul3A_387 : i32
                  %add3A_389 = arith.addi %add3A_388, %while3A_385 : i32
                  %add3A_390 = arith.addi %mul3A_2, %add3A_389 : i32
                  %mul3A_391 = arith.constant 128 : i32
                  %mul3A_392 = arith.muli %add3A_390, %mul3A_391 : i32
                  %dma_start3A_393 = arith.constant 0 : i32
                  %dma_start3A_394 = tpu.memref_slice %arg7[%dma_start3A_393] : memref<32768xf32, #tpu.memory_space<vmem>> -> memref<128xf32, #tpu.memory_space<vmem>>
                  %dma_start3A_395 = tpu.memref_slice %arg4[%mul3A_392] : memref<67108864xf32, #tpu.memory_space<hbm>> -> memref<128xf32, #tpu.memory_space<hbm>>
                  %dma_start3A_396 = tpu.memref_slice %arg4[%mul3A_392] : memref<67108864xf32, #tpu.memory_space<hbm>> -> memref<128xf32, #tpu.memory_space<hbm>>
                  %dma_start3A_397 = arith.constant 0 : i32
                  %dma_start3A_398 = tpu.memref_slice %arg7[%dma_start3A_397] : memref<32768xf32, #tpu.memory_space<vmem>> -> memref<128xf32, #tpu.memory_space<vmem>>
                  tpu.enqueue_dma source(%dma_start3A_398 : memref<128xf32, #tpu.memory_space<vmem>>) target(%dma_start3A_396 : memref<128xf32, #tpu.memory_space<hbm>>) target_semaphore(%arg14 : memref<!tpu.dma_semaphore, #tpu.memory_space<semaphore_mem>>)
                  %dma_wait3A_399 = arith.constant 0 : i32
                  %dma_wait3A_400 = tpu.memref_slice %arg7[%dma_wait3A_399] : memref<32768xf32, #tpu.memory_space<vmem>> -> memref<128xf32, #tpu.memory_space<vmem>>
                  %dma_wait3A_401 = tpu.memref_slice %arg4[%mul3A_392] : memref<67108864xf32, #tpu.memory_space<hbm>> -> memref<128xf32, #tpu.memory_space<hbm>>
                  %dma_wait3A_402 = tpu.memref_slice %arg4[%mul3A_392] : memref<67108864xf32, #tpu.memory_space<hbm>> -> memref<128xf32, #tpu.memory_space<hbm>>
                  %dma_wait3A_403 = arith.constant 0 : i32
                  %dma_wait3A_404 = tpu.memref_slice %arg7[%dma_wait3A_403] : memref<32768xf32, #tpu.memory_space<vmem>> -> memref<128xf32, #tpu.memory_space<vmem>>
                  tpu.wait_dma2 semaphore(%arg14 : memref<!tpu.dma_semaphore, #tpu.memory_space<semaphore_mem>>) src(%dma_wait3A_404 : memref<128xf32, #tpu.memory_space<vmem>>) dst(%dma_wait3A_402 : memref<128xf32, #tpu.memory_space<hbm>>)
                }
                %while3A_384 = arith.constant 1 : i32
                scf.for %while3A_385 = %while3A_382 to %while3A_378 step %while3A_384  : i32 {
                  %mul3A_386 = arith.constant 16 : i32
                  %mul3A_387 = arith.muli %mul3A_386, %select_n3A_322 : i32
                  %add3A_388 = arith.addi %scan3A_107, %mul3A_387 : i32
                  %add3A_389 = arith.addi %add3A_388, %while3A_385 : i32
                  %add3A_390 = arith.addi %mul3A_2, %add3A_389 : i32
                  %mul3A_391 = arith.constant 128 : i32
                  %mul3A_392 = arith.muli %add3A_390, %mul3A_391 : i32
                  %dma_start3A_393 = arith.constant 0 : i32
                  %dma_start3A_394 = tpu.memref_slice %arg7[%dma_start3A_393] : memref<32768xf32, #tpu.memory_space<vmem>> -> memref<128xf32, #tpu.memory_space<vmem>>
                  %dma_start3A_395 = tpu.memref_slice %arg4[%mul3A_392] : memref<67108864xf32, #tpu.memory_space<hbm>> -> memref<128xf32, #tpu.memory_space<hbm>>
                  %dma_start3A_396 = tpu.memref_slice %arg4[%mul3A_392] : memref<67108864xf32, #tpu.memory_space<hbm>> -> memref<128xf32, #tpu.memory_space<hbm>>
                  %dma_start3A_397 = arith.constant 0 : i32
                  %dma_start3A_398 = tpu.memref_slice %arg7[%dma_start3A_397] : memref<32768xf32, #tpu.memory_space<vmem>> -> memref<128xf32, #tpu.memory_space<vmem>>
                  tpu.enqueue_dma source(%dma_start3A_398 : memref<128xf32, #tpu.memory_space<vmem>>) target(%dma_start3A_396 : memref<128xf32, #tpu.memory_space<hbm>>) target_semaphore(%arg14 : memref<!tpu.dma_semaphore, #tpu.memory_space<semaphore_mem>>)
                  %dma_wait3A_399 = arith.constant 0 : i32
                  %dma_wait3A_400 = tpu.memref_slice %arg7[%dma_wait3A_399] : memref<32768xf32, #tpu.memory_space<vmem>> -> memref<128xf32, #tpu.memory_space<vmem>>
                  %dma_wait3A_401 = tpu.memref_slice %arg4[%mul3A_392] : memref<67108864xf32, #tpu.memory_space<hbm>> -> memref<128xf32, #tpu.memory_space<hbm>>
                  %dma_wait3A_402 = tpu.memref_slice %arg4[%mul3A_392] : memref<67108864xf32, #tpu.memory_space<hbm>> -> memref<128xf32, #tpu.memory_space<hbm>>
                  %dma_wait3A_403 = arith.constant 0 : i32
                  %dma_wait3A_404 = tpu.memref_slice %arg7[%dma_wait3A_403] : memref<32768xf32, #tpu.memory_space<vmem>> -> memref<128xf32, #tpu.memory_space<vmem>>
                  tpu.wait_dma2 semaphore(%arg14 : memref<!tpu.dma_semaphore, #tpu.memory_space<semaphore_mem>>) src(%dma_wait3A_404 : memref<128xf32, #tpu.memory_space<vmem>>) dst(%dma_wait3A_402 : memref<128xf32, #tpu.memory_space<hbm>>)
                }
              }
            } else {
            }
            scf.yield %cond3A_295 : i32
          }
          scf.yield %scan3A_109, %cond3A_298 : i32, i32
        }
        %sub3A_267 = arith.constant 1 : i32
        %sub3A_268 = arith.subi %sub3A_267, %scan3A_108 : i32
        scf.yield %add3A_261, %sub3A_268, %cond3A_266#0, %cond3A_266#1 : i32, i32, i32, i32
      } else {
        scf.yield %scan3A_107, %scan3A_108, %scan3A_109, %scan3A_110 : i32, i32, i32, i32
      }
      scf.yield %cond3A_113#0, %cond3A_113#1, %cond3A_113#2, %cond3A_113#3 : i32, i32, i32, i32
    }
    %scan3A_86 = arith.constant 32 : i32
    %while3A = arith.constant 0 : i32
    %while3A_87 = arith.constant 0 : i32
    %while3A_88 = arith.subi %scan3A_85#2, %while3A_87 : i32
    %while3A_89 = arith.addi %while3A_87, %while3A_88 : i32
    %while3A_90 = arith.constant 1 : i32
    %while3A_91 = arith.divsi %while3A_88, %while3A_90 : i32
    %while3A_92 = arith.muli %while3A_91, %while3A_90 : i32
    %while3A_93 = arith.addi %while3A_87, %while3A_92 : i32
    %while3A_94 = arith.constant 1 : i32
    scf.for %while3A_106 = %while3A_87 to %while3A_93 step %while3A_94  : i32 {
      %mul3A_107 = arith.constant 128 : i32
      %mul3A_108 = arith.muli %mul3A_2, %mul3A_107 : i32
      %dma_wait3A_109 = tpu.memref_slice %arg4[%mul3A_108] : memref<67108864xf32, #tpu.memory_space<hbm>> -> memref<32768xf32, #tpu.memory_space<hbm>>
      %dma_wait3A_110 = tpu.memref_slice %arg4[%mul3A_108] : memref<67108864xf32, #tpu.memory_space<hbm>> -> memref<32768xf32, #tpu.memory_space<hbm>>
      tpu.wait_dma2 semaphore(%arg12 : memref<!tpu.dma_semaphore, #tpu.memory_space<semaphore_mem>>) src(%arg6 : memref<32768xf32, #tpu.memory_space<vmem>>) dst(%dma_wait3A_110 : memref<32768xf32, #tpu.memory_space<hbm>>)
    }
    %while3A_95 = arith.constant 1 : i32
    scf.for %while3A_106 = %while3A_93 to %while3A_89 step %while3A_95  : i32 {
      %mul3A_107 = arith.constant 128 : i32
      %mul3A_108 = arith.muli %mul3A_2, %mul3A_107 : i32
      %dma_wait3A_109 = tpu.memref_slice %arg4[%mul3A_108] : memref<67108864xf32, #tpu.memory_space<hbm>> -> memref<32768xf32, #tpu.memory_space<hbm>>
      %dma_wait3A_110 = tpu.memref_slice %arg4[%mul3A_108] : memref<67108864xf32, #tpu.memory_space<hbm>> -> memref<32768xf32, #tpu.memory_space<hbm>>
      tpu.wait_dma2 semaphore(%arg12 : memref<!tpu.dma_semaphore, #tpu.memory_space<semaphore_mem>>) src(%arg6 : memref<32768xf32, #tpu.memory_space<vmem>>) dst(%dma_wait3A_110 : memref<32768xf32, #tpu.memory_space<hbm>>)
    }
    %while3A_96 = arith.constant 0 : i32
    %while3A_97 = arith.constant 0 : i32
    %while3A_98 = arith.subi %scan3A_85#3, %while3A_97 : i32
    %while3A_99 = arith.addi %while3A_97, %while3A_98 : i32
    %while3A_100 = arith.constant 1 : i32
    %while3A_101 = arith.divsi %while3A_98, %while3A_100 : i32
    %while3A_102 = arith.muli %while3A_101, %while3A_100 : i32
    %while3A_103 = arith.addi %while3A_97, %while3A_102 : i32
    %while3A_104 = arith.constant 1 : i32
    scf.for %while3A_106 = %while3A_97 to %while3A_103 step %while3A_104  : i32 {
      %mul3A_107 = arith.constant 128 : i32
      %mul3A_108 = arith.muli %mul3A_2, %mul3A_107 : i32
      %dma_wait3A_109 = tpu.memref_slice %arg4[%mul3A_108] : memref<67108864xf32, #tpu.memory_space<hbm>> -> memref<32768xf32, #tpu.memory_space<hbm>>
      %dma_wait3A_110 = tpu.memref_slice %arg4[%mul3A_108] : memref<67108864xf32, #tpu.memory_space<hbm>> -> memref<32768xf32, #tpu.memory_space<hbm>>
      tpu.wait_dma2 semaphore(%arg13 : memref<!tpu.dma_semaphore, #tpu.memory_space<semaphore_mem>>) src(%arg7 : memref<32768xf32, #tpu.memory_space<vmem>>) dst(%dma_wait3A_110 : memref<32768xf32, #tpu.memory_space<hbm>>)
    }
    %while3A_105 = arith.constant 1 : i32
    scf.for %while3A_106 = %while3A_103 to %while3A_99 step %while3A_105  : i32 {
      %mul3A_107 = arith.constant 128 : i32
      %mul3A_108 = arith.muli %mul3A_2, %mul3A_107 : i32
      %dma_wait3A_109 = tpu.memref_slice %arg4[%mul3A_108] : memref<67108864xf32, #tpu.memory_space<hbm>> -> memref<32768xf32, #tpu.memory_space<hbm>>
      %dma_wait3A_110 = tpu.memref_slice %arg4[%mul3A_108] : memref<67108864xf32, #tpu.memory_space<hbm>> -> memref<32768xf32, #tpu.memory_space<hbm>>
      tpu.wait_dma2 semaphore(%arg13 : memref<!tpu.dma_semaphore, #tpu.memory_space<semaphore_mem>>) src(%arg7 : memref<32768xf32, #tpu.memory_space<vmem>>) dst(%dma_wait3A_110 : memref<32768xf32, #tpu.memory_space<hbm>>)
    }
    return
  }
}

</mosaic_0001>

<sc_bundles>
// kernel: kernel.3.cloned.1.call-start
scs
__scs_entry_jumppad:
0x0: {  	(pc) =	sbr.rel $0x88, $3  }
0x1: {  	(tag) =	ssettag $0x0;
	lr =	simm.s32 $0x1  }
0x2: {  	[smem:$0x3F9F] =	sst lr;
	_ =	strace $0xD0000000  }
0x3: {  	_ = 	snop  }
0x4: {  	_ = 	snop  }
0x5: {  	_ = 	snop  }
0x6: {  	_ = 	snop  }
0x7: {  	_ = 	snop  }
__scs_overlays_trampoline_lowered:
0x8: {  	[smem:$0x3FAE] =	sst s0  }
0x9: {  	[smem:$0x3FAF] =	sst s1  }
0xa: {  	[smem:$0x3FB0] =	sst s2  }
0xb: {  	[smem:$0x3FB1] =	sst s3  }
0xc: {  	[smem:$0x3FB2] =	sst s4  }
0xd: {  	[smem:$0x3FB3] =	sst s5  }
0xe: {  	[smem:$0x3FB4] =	sst s6  }
0xf: {  	[smem:$0x3FB5] =	sst s7  }
0x10: {  	[smem:$0x3FB6] =	sst s8  }
0x11: {  	[smem:$0x3FB7] =	sst s9;
	s0 =	simm.s32 @!p0 $0x0  }
0x12: {  	s1 =	sld [smem:$0x3F9D];
	s0 =	simm.s32 @p0 $0x1  }
0x13: {  	[smem:$0x3FB8] =	sst s0;
	s0 =	simm.s32 @!p1 $0x0  }
0x14: {  	s2 =	sld [smem:$0x3F9C];
	s0 =	simm.s32 @p1 $0x1  }
0x15: {  	[smem:$0x3FB9] =	sst s0;
	s0 =	simm.s32 @!p2 $0x0  }
0x16: {  	s3 =	sld [smem:$0x3FDB];
	s0 =	simm.s32 @p2 $0x1  }
0x17: {  	s4 =	simm.s32 $0x1BF5;
	[smem:$0x3FBB] =	sst s0  }
0x18: {  	s0 =	sld [smem:$0x3F9E];
	_ =	swait.ge [sflag:s4], $0x0  }
0x19: {  	s7 =	sld [smem:$0x3F9F]  }
0x1a: {  	s8 =	sadd.s32 $0xFFFFE003, lr  }
0x1b: {  	s9 =	sadd.s32 $0xFFFFFEF7, lr;
	s5 =	simm.s32 $0xFFFFFFFF;
	p2 =	slt.u32 s8, $0xFFFFF086  }
0x1c: {  	p1 =	slt.u32 s9, $0xF7A;
	s5 =	simm.s32 @!p2 $0x0  }
0x1d: {  	s5 =	simm.s32 @p1 $0x1;
	p0 =	seq.s32 s7, s2  }
0x1e: {  	s7 =	smul.u32 @!p0 $0xF7A, s2;
	p2 =	seq.s32 @!p0 s5, $0x0  }
0x1f: {  	s9 =	smul.u32 $0xF7A, s1;
	s8 =	simm.s32 @!p0 $0x1BF5;
	p2 =	por !p2, p0  }
0x20: {  	[sflag:s8] =	ssyncset.s32 @!p0 $0xFFFFF086;
	s6 =	sadd.s32 @!p0 s3, s7;
	s7 =	simm.s32 @!p0 $0x108  }
0x21: {  	s3 =	sadd.s32 s3, s9;
	s6 =	sadd.s32 @!p0 $0x88, s6;
	s7 =	simm.s32 @p2 $0x1082  }
0x22: {  	[simem:s7], [sflag:s8] =	dma.local @!p0 [hbm:s6], $0xF7A  }
0x23: {  	s9 =	sor.u32 $0xD0000000, s2;
	s6 =	simm.s32 $0x108;
	_ =	swait.ge @!p0 [sflag:s8], $0x0  }
0x24: {  	s3 =	sadd.s32 $0x88, s3;
	s6 =	simm.s32 @!p1 $0x1082;
	[sflag:s4] =	ssyncset.s32 $0xFFFFF086  }
0x25: {  	[simem:s6], [sflag:s4] =	dma.local [hbm:s3], $0xF7A  }
0x26: {  	[smem:$0x3F9F] =	sst s1;
	(tag) =	ssettag s2;
	_ =	strace s9  }
0x27: {  	s1 =	sld [smem:$0x3FAF]  }
0x28: {  	s2 =	sld [smem:$0x3FB0]  }
0x29: {  	s4 =	sld [smem:$0x3FB2]  }
0x2a: {  	p0 =	seq.s32 s5, $0x0;
	s5 =	sld [smem:$0x3FB3]  }
0x2b: {  	s6 =	sld [smem:$0x3FB4]  }
0x2c: {  	s7 =	sld [smem:$0x3FB5]  }
0x2d: {  	s3 =	simm.s32 $0x108;
	s8 =	sld [smem:$0x3FB6]  }
0x2e: {  	s3 =	simm.s32 @!p0 $0x1082;
	s9 =	sld [smem:$0x3FB7]  }
0x2f: {  	lr =	sadd.s32 s0, s3;
	s0 =	sld [smem:$0x3FAE]  }
0x30: {  	s3 =	sld [smem:$0x3FB1]  }
0x31: {  	[smem:$0x3FBA] =	sst s10  }
0x32: {  	s10 =	sld [smem:$0x3FB8];
	_ =	sdelay $0x3  }
0x33: {  	p0 =	seq.s32 s10, $0x1;
	s10 =	sld [smem:$0x3FBA];
	_ =	sdelay $0x3  }
0x34: {  	[smem:$0x3FBA] =	sst s10  }
0x35: {  	s10 =	sld [smem:$0x3FB9];
	_ =	sdelay $0x3  }
0x36: {  	p1 =	seq.s32 s10, $0x1;
	s10 =	sld [smem:$0x3FBA];
	_ =	sdelay $0x3  }
0x37: {  	[smem:$0x3FBA] =	sst s10  }
0x38: {  	s10 =	sld [smem:$0x3FBB]  }
0x39: {  	_ = 	snop;
	(pc) =	sbr.ind lr, $3  }
0x3a: {  	_ = 	snop  }
0x3b: {  	_ = 	snop  }
0x3c: {  	p2 =	seq.s32 s10, $0x1;
	s10 =	sld [smem:$0x3FBA]  }
0x3d: {  	_ =	shalt  }
0x3e: {  	_ =	shalt  }
0x3f: {  	_ =	shalt  }
0x40: {  	_ =	shalt  }
0x41: {  	_ =	shalt  }
0x42: {  	_ =	shalt  }
0x43: {  	_ =	shalt  }
0x44: {  	_ =	shalt  }
0x45: {  	_ =	shalt  }
0x46: {  	_ =	shalt  }
0x47: {  	_ =	shalt  }
0x48: {  	_ =	shalt  }
0x49: {  	_ =	shalt  }
0x4a: {  	_ =	shalt  }
0x4b: {  	_ =	shalt  }
0x4c: {  	_ =	shalt  }
0x4d: {  	_ =	shalt  }
0x4e: {  	_ =	shalt  }
0x4f: {  	_ =	shalt  }
0x50: {  	_ =	shalt  }
0x51: {  	_ =	shalt  }
0x52: {  	_ =	shalt  }
0x53: {  	_ =	shalt  }
0x54: {  	_ =	shalt  }
0x55: {  	_ =	shalt  }
0x56: {  	_ =	shalt  }
0x57: {  	_ =	shalt  }
0x58: {  	_ =	shalt  }
0x59: {  	_ =	shalt  }
0x5a: {  	_ =	shalt  }
0x5b: {  	_ =	shalt  }
0x5c: {  	_ =	shalt  }
0x5d: {  	_ =	shalt  }
0x5e: {  	_ =	shalt  }
0x5f: {  	_ =	shalt  }
0x60: {  	_ =	shalt  }
0x61: {  	_ =	shalt  }
0x62: {  	_ =	shalt  }
0x63: {  	_ =	shalt  }
0x64: {  	_ =	shalt  }
0x65: {  	_ =	shalt  }
0x66: {  	_ =	shalt  }
0x67: {  	_ =	shalt  }
0x68: {  	_ =	shalt  }
0x69: {  	_ =	shalt  }
0x6a: {  	_ =	shalt  }
0x6b: {  	_ =	shalt  }
0x6c: {  	_ =	shalt  }
0x6d: {  	_ =	shalt  }
0x6e: {  	_ =	shalt  }
0x6f: {  	_ =	shalt  }
0x70: {  	_ =	shalt  }
0x71: {  	_ =	shalt  }
0x72: {  	_ =	shalt  }
0x73: {  	_ =	shalt  }
0x74: {  	_ =	shalt  }
0x75: {  	_ =	shalt  }
0x76: {  	_ =	shalt  }
0x77: {  	_ =	shalt  }
0x78: {  	_ =	shalt  }
0x79: {  	_ =	shalt  }
0x7a: {  	_ =	shalt  }
0x7b: {  	_ =	shalt  }
0x7c: {  	_ =	shalt  }
0x7d: {  	_ =	shalt  }
0x7e: {  	_ =	shalt  }
0x7f: {  	_ =	shalt  }
0x80: {  	_ =	shalt  }
0x81: {  	_ =	shalt  }
0x82: {  	_ =	shalt  }
0x83: {  	_ =	shalt  }
0x84: {  	_ =	shalt  }
0x85: {  	_ =	shalt  }
0x86: {  	_ =	shalt  }
0x87: {  	_ =	shalt  }
.Lfunc_end0:
.L_simem_size_0:
called_computation_lowered:
.L_overlay_start_0:
0x88: {  	s2 =	sld [smem:$0x3FD9]  }
0x89: {  	s3 =	sld [smem:$0x3FFE];
	_ =	sdelay $0x1  }
0x8a: {  	s1 =	srdreg.scid  }
0x8b: {  	s0 =	sand.u32 $0x1, s1  }
0x8c: {  	s18 =	sshll.u32 s0, $0xA;
	s2 =	sadd.s32 s3, s2  }
0x8d: {  	s2 =	sadd.s32 s2, s18  }
0x8e: {  	[smem:$0x3FC6] =	sst s2  }
0x8f: {  	_ = 	snop  }
0x90: {  	s2 =	sld [smem:$0x3FC9]  }
0x91: {  	s19 =	sld [smem:$0x3FC8]  }
0x92: {  	s4 =	sld [smem:$0x3FD0];
	(tm) =	ssettm $0x1  }
0x93: {  	s5 =	sld [smem:$0x3FFB];
	_ =	sdelay $0x3  }
0x94: {  	_ =	strace s5  }
0x95: {  	s5 =	sld [smem:$0x3FFC];
	_ =	sdelay $0x3  }
0x96: {  	_ =	strace s5  }
0x97: {  	s5 =	sld [smem:$0x3FFD];
	_ =	sdelay $0x3  }
0x98: {  	_ =	strace s5  }
0x99: {  	_ =	strace $0x8FFFFFFF  }
0x9a: {  	s20 =	sld [smem:$0x3FDB];
	_ =	sdelay $0x1  }
0x9b: {  	s6 =	simm.s32 $_scs_section_size  }
0x9c: {  	s7 =	simm.s32 $_size__tile_overlayer_lowered;
	s8 =	simm.s32 $_tile_overlayer_lowered  }
0x9d: {  	s23 =	simm.s32 $0x1BFF;
	s22 =	sshll.u32 s8, $0x1;
	s5 =	sadd.s32 s6, s20  }
0x9e: {  	s9 =	simm.s32 $0x0;
	s21 =	sshll.u32 s7, $0x1;
	s7 =	sadd.s32 s22, s5  }
0x9f: {  	[timem:s9], [sflag:s23] =	dma.local [hbm:s7], s21  }
0xa0: {  	_ =	swait.ge [sflag:s23], s21  }
0xa1: {  	s6 =	ssub.s32 $0x0, s21;
	[sflag:s23] =	ssyncset.done $0x0  }
0xa2: {  	[sflag:s23] =	ssyncadd.s32 s6;
	_ =	sdelay $0x1  }
0xa3: {  	s24 =	simm.s32 $0x1B8B  }
0xa4: {  	_ =	swait.ge [sflag:s24], $0x1  }
0xa5: {  	[sflag:s24] =	ssyncset.done $0x0  }
0xa6: {  	s25 =	simm.s32 $0x1B8E;
	[sflag:s24] =	ssyncadd.s32 $0xFFFFFFFF  }
0xa7: {  	s26 =	simm.s32 $execute0_lowered;
	[smem:$0x3FD2] =	sst s25  }
0xa8: {  	s6 =	sshll.u32 s26, $0x1;
	_ =	strace $0x80000046;
	[dreg:$0x1] =	wrdreg $0xFFFFFFFF  }
0xa9: {  	s28 =	simm.s32 $_size_execute0_lowered;
	s5 =	sadd.s32 s5, s6;
	[dreg:$0x0] =	wrdreg $0x0  }
0xaa: {  	s6 =	sshll.u32 s28, $0x1;
	[dreg:$0x2] =	wrdreg s5  }
0xab: {  	[dreg:$0x3] =	wrdreg s6  }
0xac: {  	[dreg:$0x4] =	wrdreg $0xC0  }
0xad: {  	_ =	task [dreg:s9], $0x5FFFF  }
0xae: {  	[dreg:$0x1] =	wrdreg $0xFFFFFFFF  }
0xaf: {  	[dreg:$0x0] =	wrdreg $0x60  }
0xb0: {  	[dreg:$0x2] =	wrdreg s19  }
0xb1: {  	[dreg:$0x3] =	wrdreg s2  }
0xb2: {  	[dreg:$0x4] =	wrdreg s4  }
0xb3: {  	[dreg:$0x5] =	wrdreg $0x9  }
0xb4: {  	_ =	task.clear_ibuf [dreg:s9], $0x6FFFF;
	_ =	strace $0x90000046  }
0xb5: {  	s29 =	simm.s32 $0x9;
	_ =	strace $0x80000048  }
0xb6: {  	_ =	swait.ge [sflag:s29], $0x1  }
0xb7: {  	[sflag:s29] =	ssyncadd.s32 $0xFFFFFFFF  }
0xb8: {  	_ =	strace $0x90000048  }
0xb9: {  	_ =	sfence  }
0xba: {  	s30 =	sld [smem:$0x0];
	_ =	sdelay $0x2  }
0xbb: {  	s31 =	sshll.u32 s1, $0xD;
	s1 =	sshrl.u32 s1, $0x2  }
0xbc: {  	s3 =	sand.u32 $0x4000, s31;
	s1 =	sadd.s32 s1, s30  }
0xbd: {  	s0 =	sor.u32 s3, s0;
	s1 =	sshll.u32 s1, $0x11  }
0xbe: {  	s0 =	sor.u32 s1, s0  }
0xbf: {  	s0 =	sadd.s32 $0x8F2B, s0  }
0xc0: {  	[sflag:s0] =	ssyncadd.remote.s32 $0x1  }
0xc1: {  	_ =	sfence.sel $0xFFFF  }
0xc2: {  	[dreg:$0x0] =	wrdreg $0xFFFFFFFF;
	(pc) =	sbr.abs _section_cstart, $3  }
0xc3: {  	[dreg:$0x1] =	wrdreg $0xFFFFFFFF  }
0xc4: {  	_ =	task.clear_ibuf [dreg:s9], $0x2FFFF;
	_ =	strace $0x9FFFFFFF  }
0xc5: {  	(tm) =	ssettm $0x7FFFFFFF  }
tec
execute0_lowered:
.L_overlay_start_1:
0x0: {  	(tag) =	ssettag $0x1  }
0x1: {  	s0 =	rddreg [dreg:$0x1]  }
0x2: {  	s4 =	srdreg.scid;
	s3 =	rddreg [dreg:$0x2]  }
0x3: {  	s1 =	stileid.u32;
	s15 =	simm.s32 $0x5;
	s16 =	simm.s32 $0x3  }
0x4: {  	s17 =	simm.s32 $0x4080;
	s5 =	sand.u32 $0x1, s4;
	s6 =	sshll.u32 s1, $0xF  }
0x5: {  	s4 =	simm.s32 $0x0;
	s7 =	sshll.u32 s5, $0xE;
	s8 =	ssub.s32 $0x2, s5  }
0x6: {  	[smem:$0x7FF] =	sst s4;
	s5 =	sor.u32 s7, s6;
	s28 =	sshrl.u32 s8, $0x1  }
0x7: {  	_ =	strace $0x80000047;
	s7 =	sshrl.u32 s5, $0x3;
	s29 =	sadd.s32 $0x1FFFFF0, s5  }
.Ltmp0:
0x8: {  	s30 =	sadd.s32 $0x1FFFF00, s5;
	[dreg:$0x6] =	wrdreg s29;
	(pc) =	sbr.rel .LBB2_1-.Ltmp0, $4  }
0x9: {  	s10 =	ssub.s32 s8, s28;
	s0 =	sadd.s32 s0, s7;
	[dreg:$0x7] =	wrdreg s30  }
0xa: {  	s18 =	simm.s32 $0x4;
	s31 =	smax.u32 s10, $0x1;
	[dreg:$0x4] =	wrdreg s0  }
0xb: {  	s19 =	simm.s32 $0x2;
	s0 =	sadd.s32 $0x2, s0;
	[dreg:$0x8] =	wrdreg s31  }
0xc: {  	vm0 =	vmmov $0xffff;
	v0 =	vimm.s32 $0x20;
	s20 =	simm.s32 $0xC080;
	s1 =	simm.s32 $0x0;
	[dreg:$0x5] =	wrdreg s0  }
.LBB2_58:
0xd: {  	[sflag:s18] =	ssyncadd.s32 $0xFFFF8000  }
.LBB2_59:
0xe: {  	s1 =	sadd.s32 $0x1, s1;
	s0 =	rddreg [dreg:$0x8]  }
0xf: {  	p0 =	sne.s32 s1, s0  }
.Ltmp1:
0x10: {  	_ = 	snop;
	(pc) =	sbr.rel @!p0 .LBB2_60-.Ltmp1, $1  }
0x11: {  	_ =	sdelay $0x3  }
.LBB2_1:
0x12: {  	[dreg:$0x9] =	wrdreg s1  }
0x13: {  	s0 =	rddreg [dreg:$0x4];
	s26 =	simm.s32 $0x6  }
0x14: {  	[tilespmem:s4], [sflag:$0x6] =	stream.linear.gather [hbm4b:s0+s4], $0x10, $0x38;
	[tilespmem:$0x15080] =	vst v63  }
0x15: {  	_ =	swait.ge [sflag:s26], $0x10  }
0x16: {  	[sflag:s26] =	ssyncset.done $0x0  }
0x17: {  	[sflag:s26] =	ssyncadd.s32 $0xFFFFFFF0  }
0x18: {  	v1 =	vld.msk [tilespmem:$0x0 ss:$0x0], $0xffff;
	_ =	sdelay $0x6  }
0x19: {  	s28 =	simm.s32 $0x14080;
	s0 =	rddreg [dreg:$0x0]  }
0x1a: {  	[tilespmem:s28], [sflag:$0x1] =	stream.indirect_vreg.gather [hbm4b:s0+s4], $0x80, v1, vm0, $0xb8;
	[tilespmem:$0x15080] =	vst v63  }
0x1b: {  	s30 =	simm.s32 $0x10;
	s31 =	simm.s32 $0x1;
	s29 =	rddreg [dreg:$0x5]  }
0x1c: {  	[tilespmem:s30], [sflag:$0x5] =	stream.linear.gather [hbm4b:s29+s4], $0x3FF0, $0x38;
	[tilespmem:$0x15080] =	vst v63  }
0x1d: {  	_ =	swait.ge [sflag:s31], $0x800  }
0x1e: {  	[sflag:s31] =	ssyncset.done $0x0  }
0x1f: {  	[sflag:s31] =	ssyncadd.s32 $0xFFFFF800  }
0x20: {  	v1 =	vld [tilespmem:$0x14080]  }
0x21: {  	v2 =	vld [tilespmem:$0x14090]  }
0x22: {  	v3 =	vld [tilespmem:$0x140A0]  }
0x23: {  	v8 =	vld [tilespmem:$0x140F0]  }
0x24: {  	v4 =	vld [tilespmem:$0x140B0]  }
0x25: {  	v5 =	vld [tilespmem:$0x140C0]  }
0x26: {  	v6 =	vld [tilespmem:$0x140D0]  }
0x27: {  	s22 =	simm.s32 $0x0;
	s23 =	simm.s32 $0x400;
	v7 =	vld [tilespmem:$0x140E0]  }
.LBB2_2:
0x28: {  	p0 =	sne.s32 s23, $0x1FC00;
	[tilespmem:s22+$0x4170] =	vst v8  }
0x29: {  	[tilespmem:s22+$0x4080] =	vst v1  }
0x2a: {  	[tilespmem:s22+$0x4090] =	vst v2  }
0x2b: {  	[tilespmem:s22+$0x40A0] =	vst v3  }
0x2c: {  	[tilespmem:s22+$0x40B0] =	vst v4  }
0x2d: {  	[tilespmem:s22+$0x40C0] =	vst v5  }
0x2e: {  	[tilespmem:s22+$0x40D0] =	vst v6  }
0x2f: {  	[tilespmem:s22+$0x40E0] =	vst v7  }
0x30: {  	[tilespmem:s22+$0x40F0] =	vst v8  }
0x31: {  	[tilespmem:s22+$0x4100] =	vst v1  }
0x32: {  	[tilespmem:s22+$0x4110] =	vst v2  }
.Ltmp2:
0x33: {  	[tilespmem:s22+$0x4120] =	vst v3;
	(pc) =	sbr.rel @p0 .LBB2_2-.Ltmp2, $4  }
0x34: {  	[tilespmem:s22+$0x4130] =	vst v4  }
0x35: {  	[tilespmem:s22+$0x4140] =	vst v5  }
0x36: {  	[tilespmem:s22+$0x4150] =	vst v6  }
0x37: {  	[tilespmem:s22+$0x4160] =	vst v7;
	s22 =	sshra.s32 s23, $0x2;
	s23 =	sadd.s32 $0x400, s23  }
0x38: {  	[tilespmem:s22+$0x4170] =	vst v8  }
0x39: {  	[tilespmem:s22+$0x4080] =	vst v1  }
0x3a: {  	[tilespmem:s22+$0x4090] =	vst v2  }
0x3b: {  	[tilespmem:s22+$0x40A0] =	vst v3  }
0x3c: {  	[tilespmem:s22+$0x40B0] =	vst v4  }
0x3d: {  	[tilespmem:s22+$0x40C0] =	vst v5  }
0x3e: {  	[tilespmem:s22+$0x40D0] =	vst v6  }
0x3f: {  	[tilespmem:s22+$0x40E0] =	vst v7  }
0x40: {  	[tilespmem:s22+$0x40F0] =	vst v8  }
0x41: {  	[tilespmem:s22+$0x4100] =	vst v1  }
0x42: {  	[tilespmem:s22+$0x4110] =	vst v2  }
0x43: {  	[tilespmem:s22+$0x4120] =	vst v3  }
0x44: {  	[tilespmem:s22+$0x4130] =	vst v4  }
0x45: {  	[tilespmem:s22+$0x4140] =	vst v5  }
0x46: {  	[tilespmem:s22+$0x4150] =	vst v6  }
.Ltmp3:
0x47: {  	[tilespmem:s22+$0x4160] =	vst v7;
	(pc) =	sbr.rel .LBB2_4-.Ltmp3, $4  }
0x48: {  	_ =	swait.ge [sflag:s15], $0x3FF0  }
0x49: {  	[sflag:s15] =	ssyncset.done $0x0  }
0x4a: {  	s26 =	simm.s32 $0x0;
	s25 =	simm.s32 $0x0;
	[sflag:s15] =	ssyncadd.s32 $0xFFFFC010  }
0x4b: {  	s28 =	simm.s32 $0x0;
	s22 =	simm.s32 $0x0;
	s23 =	simm.s32 $0x0;
	[tilespmem:$0x4000] =	vst v0  }
.LBB2_47:
0x4c: {  	s25 =	simm.s32 $0x0  }
.LBB2_52:
0x4d: {  	s22 =	sxor.u32 $0x1, s22;
	s26 =	smov.u32 s24  }
.LBB2_53:
0x4e: {  	s23 =	sadd.s32 $0x1, s23  }
0x4f: {  	p0 =	seq.s32 s23, $0x20  }
.Ltmp4:
0x50: {  	_ = 	snop;
	(pc) =	sbr.rel @p0 .LBB2_54-.Ltmp4, $1  }
0x51: {  	_ =	sdelay $0x3  }
.LBB2_4:
0x52: {  	p0 =	sgt.s32 s26, $0x3FFF  }
.Ltmp5:
0x53: {  	_ = 	snop;
	(pc) =	sbr.rel @p0 .LBB2_53-.Ltmp5, $1  }
0x54: {  	_ =	sdelay $0x3  }
0x55: {  	v1 =	vld [tilespmem:s26+$0x0];
	_ =	sdelay $0x4  }
0x56: {  	(v2sf) =	vpush v1, $0x0;
	_ =	sdelay $0x6  }
0x57: {  	p0 =	sgt.s32 s26, $0x0;
	s0 =	simm.s32 $0x1  }
0x58: {  	s24 =	sshra.s32 s26, $0x1F;
	s0 =	simm.s32 @!p0 $0x0  }
0x59: {  	s29 =	sand.u32 $0xF, s26;
	s0 =	sadd.s32 s0, s24  }
0x5a: {  	p1 =	sne.s32 s29, $0x0;
	p6 =	sne.s32 s0, $0x1  }
0x5b: {  	s24 =	sshrl.u32 s24, $0x1C;
	p0 =	por !p1, !p6  }
0x5c: {  	s29 =	simm.s32 $0x1;
	s0 =	sadd.s32 s24, s26;
	p0 =	por !p0, !p0  }
0x5d: {  	s0 =	sshra.s32 s0, $0x4;
	s29 =	simm.s32 @!p0 $0x0  }
0x5e: {  	s30 =	simm.s32 $0xA;
	s31 =	ssub.s32 s0, s29  }
0x5f: {  	s29 =	simm.s32 $0x400;
	s0 =	sadd.s32 $0x400, s31;
	s24 =	spop (v2sf)  }
.LBB2_6:
0x60: {  	s1 =	smov.u32 s31  }
0x61: {  	p0 =	sne.s32 s30, $0x1;
	s31 =	sand.u32 $0x1, s0  }
0x62: {  	p1 =	slt.s32 s0, $0x1;
	p2 =	seq.s32 s31, $0x1  }
0x63: {  	s31 =	sshrl.u32 s0, $0x1F;
	p1 =	por !p1, !p2  }
0x64: {  	s0 =	sadd.s32 s31, s0;
	s31 =	simm.s32 $0x1;
	p1 =	por !p1, !p1  }
0x65: {  	s0 =	sshra.s32 s0, $0x1;
	s31 =	simm.s32 @!p1 $0x0  }
0x66: {  	s0 =	ssub.s32 s0, s31  }
0x67: {  	s31 =	sshll.u32 s0, $0x6  }
0x68: {  	s31 =	sshra.s32 s31, $0x2  }
0x69: {  	v1 =	vld [tilespmem:s31+$0x0];
	_ =	sdelay $0x4  }
0x6a: {  	(v2sf) =	vpush v1, $0x0;
	_ =	sdelay $0xd  }
.Ltmp6:
0x6b: {  	(pc) =	sbr.rel @p0 .LBB2_6-.Ltmp6, $4  }
0x6c: {  	s31 =	spop (v2sf)  }
0x6d: {  	p1 =	sgt.s32 s31, s24;
	s31 =	smov.u32 s0  }
0x6e: {  	s31 =	smov.u32 @p1 s1;
	s29 =	smov.u32 @p1 s0  }
0x6f: {  	s30 =	sadd.s32 $0xFFFFFFFF, s30;
	s0 =	sadd.s32 s31, s29  }
0x70: {  	s1 =	sand.u32 $0x1, s0  }
0x71: {  	p0 =	slt.s32 s0, $0x1;
	p1 =	seq.s32 s1, $0x1  }
0x72: {  	s29 =	sshrl.u32 s0, $0x1F;
	p0 =	por !p0, !p1  }
0x73: {  	s0 =	sadd.s32 s29, s0;
	s1 =	simm.s32 $0x1;
	p0 =	por !p0, !p0  }
0x74: {  	s0 =	sshra.s32 s0, $0x1;
	s1 =	simm.s32 @!p0 $0x0  }
0x75: {  	s0 =	ssub.s32 s0, s1  }
0x76: {  	s1 =	sshll.u32 s0, $0x6  }
0x77: {  	s1 =	sshra.s32 s1, $0x2  }
0x78: {  	v1 =	vld [tilespmem:s1+$0x0];
	_ =	sdelay $0x4  }
0x79: {  	(v2sf) =	vpush v1, $0x0;
	_ =	sdelay $0xe  }
0x7a: {  	s30 =	spop (v2sf)  }
0x7b: {  	p0 =	sgt.s32 s30, s24  }
0x7c: {  	s0 =	smov.u32 @p0 s31  }
0x7d: {  	s0 =	sshll.u32 s0, $0x4  }
0x7e: {  	v1 =	vld [tilespmem:s0+$0x0];
	_ =	sdelay $0x4  }
0x7f: {  	(v2sf) =	vpush v1, $0x0;
	_ =	sdelay $0x1  }
0x80: {  	(v2sf) =	vpush v1, $0x1  }
0x81: {  	(v2sf) =	vpush v1, $0x2  }
0x82: {  	(v2sf) =	vpush v1, $0x3  }
0x83: {  	(v2sf) =	vpush v1, $0x4  }
0x84: {  	(v2sf) =	vpush v1, $0x5  }
0x85: {  	(v2sf) =	vpush v1, $0x6  }
0x86: {  	(v2sf) =	vpush v1, $0x7  }
0x87: {  	(v2sf) =	vpush v1, $0x8  }
0x88: {  	(v2sf) =	vpush v1, $0x9  }
0x89: {  	(v2sf) =	vpush v1, $0xA  }
0x8a: {  	(v2sf) =	vpush v1, $0xB  }
0x8b: {  	(v2sf) =	vpush v1, $0xC  }
0x8c: {  	(v2sf) =	vpush v1, $0xD  }
0x8d: {  	s1 =	spop (v2sf);
	(v2sf) =	vpush v1, $0xE;
	_ =	sdelay $0x1  }
0x8e: {  	s29 =	spop (v2sf)  }
0x8f: {  	s30 =	spop (v2sf)  }
0x90: {  	s2 =	spop (v2sf)  }
0x91: {  	s12 =	spop (v2sf)  }
0x92: {  	s13 =	spop (v2sf)  }
0x93: {  	s7 =	spop (v2sf)  }
0x94: {  	s10 =	spop (v2sf)  }
0x95: {  	s6 =	spop (v2sf)  }
0x96: {  	s11 =	spop (v2sf)  }
0x97: {  	p0 =	sle.s32 s1, s24;
	s8 =	spop (v2sf)  }
0x98: {  	s1 =	simm.s32 $0x1;
	p1 =	sle.s32 s29, s24;
	s21 =	spop (v2sf)  }
0x99: {  	s29 =	simm.s32 $0x1;
	s1 =	simm.s32 @!p0 $0x0;
	s14 =	spop (v2sf)  }
0x9a: {  	s29 =	simm.s32 @!p1 $0x0;
	p0 =	sle.s32 s30, s24;
	s9 =	spop (v2sf)  }
0x9b: {  	s30 =	simm.s32 $0x1;
	p1 =	sle.s32 s2, s24;
	s2 =	spop (v2sf);
	(v2sf) =	vpush v1, $0xF  }
0x9c: {  	s31 =	simm.s32 $0x1;
	s30 =	simm.s32 @!p0 $0x0  }
0x9d: {  	s0 =	sor.u32 s29, s0;
	s31 =	simm.s32 @!p1 $0x0;
	p0 =	sle.s32 s12, s24  }
0x9e: {  	s12 =	simm.s32 $0x1;
	s0 =	sadd.s32 s1, s0;
	s1 =	simm.s32 $0x1  }
0x9f: {  	s12 =	simm.s32 @!p0 $0x0;
	p0 =	sle.s32 s13, s24;
	s13 =	simm.s32 $0x1  }
0xa0: {  	s0 =	sadd.s32 s30, s0;
	s13 =	simm.s32 @!p0 $0x0;
	p0 =	sle.s32 s7, s24  }
0xa1: {  	s7 =	simm.s32 $0x1;
	s0 =	sadd.s32 s31, s0;
	p1 =	sle.s32 s10, s24  }
0xa2: {  	s10 =	simm.s32 $0x1;
	s7 =	simm.s32 @!p0 $0x0;
	s0 =	sadd.s32 s12, s0  }
0xa3: {  	s10 =	simm.s32 @!p1 $0x0;
	p0 =	sle.s32 s6, s24;
	s6 =	simm.s32 $0x1  }
0xa4: {  	s0 =	sadd.s32 s13, s0;
	p1 =	sle.s32 s11, s24;
	s1 =	simm.s32 @!p0 $0x0  }
0xa5: {  	s11 =	simm.s32 $0x1;
	s0 =	sadd.s32 s7, s0;
	s7 =	simm.s32 $0x1  }
0xa6: {  	s6 =	simm.s32 @!p1 $0x0;
	p0 =	sle.s32 s8, s24;
	s8 =	simm.s32 $0x1  }
0xa7: {  	s0 =	sadd.s32 s10, s0;
	p1 =	sle.s32 s21, s24;
	s8 =	simm.s32 @!p0 $0x0  }
0xa8: {  	s0 =	sadd.s32 s1, s0;
	s1 =	simm.s32 $0x1;
	p0 =	sle.s32 s14, s24  }
0xa9: {  	s11 =	simm.s32 @!p1 $0x0;
	s0 =	sadd.s32 s6, s0;
	s7 =	simm.s32 @!p0 $0x0  }
0xaa: {  	p0 =	sle.s32 s2, s24;
	s2 =	simm.s32 $0x1;
	s31 =	spop (v2sf)  }
0xab: {  	s6 =	simm.s32 $0x1;
	s2 =	simm.s32 @!p0 $0x0;
	p0 =	sle.s32 s31, s24  }
0xac: {  	s0 =	sadd.s32 s8, s0;
	s6 =	simm.s32 @!p0 $0x0;
	p0 =	seq.s32 s22, $0x0  }
.Ltmp7:
0xad: {  	p1 =	sle.s32 s9, s24;
	s0 =	sadd.s32 s11, s0;
	(pc) =	sbr.rel @p0 .LBB2_20-.Ltmp7, $4  }
0xae: {  	s1 =	simm.s32 @!p1 $0x0;
	s0 =	sadd.s32 s7, s0  }
0xaf: {  	s0 =	sadd.s32 s1, s0  }
0xb0: {  	s0 =	sadd.s32 s2, s0  }
0xb1: {  	s24 =	sadd.s32 s6, s0  }
0xb2: {  	p0 =	sgt.s32 s25, $0x0  }
.Ltmp8:
0xb3: {  	_ = 	snop;
	(pc) =	sbr.rel @!p0 .LBB2_12-.Ltmp8, $1  }
0xb4: {  	_ =	sdelay $0x3  }
0xb5: {  	p0 =	sne.s32 s25, $0x1  }
.Ltmp9:
0xb6: {  	_ = 	snop;
	(pc) =	sbr.rel @!p0 .LBB2_11-.Ltmp9, $3  }
0xb7: {  	_ =	sdelay $0x1  }
0xb8: {  	_ =	swait.ge [sflag:s18], $0x8000  }
0xb9: {  	s0 =	sadd.s32 $0xFFFFFFFF, s25;
	[sflag:s18] =	ssyncset.done $0x0  }
.LBB2_10:
0xba: {  	p0 =	sne.s32 s0, $0x1;
	s0 =	sadd.s32 $0xFFFFFFFF, s0;
	[sflag:s18] =	ssyncadd.s32 $0xFFFF8000  }
.Ltmp10:
0xbb: {  	(pc) =	sbr.rel @p0 .LBB2_10-.Ltmp10, $3  }
0xbc: {  	_ =	sdelay $0x1  }
0xbd: {  	_ =	swait.ge [sflag:s18], $0x8000  }
0xbe: {  	[sflag:s18] =	ssyncset.done $0x0  }
.LBB2_11:
0xbf: {  	[sflag:s18] =	ssyncadd.s32 $0xFFFF8000  }
.LBB2_12:
0xc0: {  	p0 =	slt.s32 s26, $0x1  }
.Ltmp11:
0xc1: {  	_ = 	snop;
	(pc) =	sbr.rel @p0 .LBB2_16-.Ltmp11, $1  }
0xc2: {  	_ =	sdelay $0x3  }
0xc3: {  	_ =	swait.ge [sflag:s19], $0x800  }
0xc4: {  	[sflag:s19] =	ssyncset.done $0x0  }
0xc5: {  	[sflag:s19] =	ssyncadd.s32 $0xFFFFF800  }
0xc6: {  	v1 =	vld [tilespmem:$0x14880]  }
0xc7: {  	v2 =	vld [tilespmem:$0x14890]  }
0xc8: {  	v3 =	vld [tilespmem:$0x148A0]  }
0xc9: {  	v8 =	vld [tilespmem:$0x148F0]  }
0xca: {  	v4 =	vld [tilespmem:$0x148B0]  }
0xcb: {  	v5 =	vld [tilespmem:$0x148C0]  }
0xcc: {  	v6 =	vld [tilespmem:$0x148D0]  }
0xcd: {  	s25 =	simm.s32 $0x0;
	s29 =	simm.s32 $0x400;
	v7 =	vld [tilespmem:$0x148E0]  }
.LBB2_14:
0xce: {  	p0 =	sne.s32 s29, $0x1FC00;
	[tilespmem:s25+$0xC170] =	vst v8  }
0xcf: {  	[tilespmem:s25+$0xC080] =	vst v1  }
0xd0: {  	[tilespmem:s25+$0xC090] =	vst v2  }
0xd1: {  	[tilespmem:s25+$0xC0A0] =	vst v3  }
0xd2: {  	[tilespmem:s25+$0xC0B0] =	vst v4  }
0xd3: {  	[tilespmem:s25+$0xC0C0] =	vst v5  }
0xd4: {  	[tilespmem:s25+$0xC0D0] =	vst v6  }
0xd5: {  	[tilespmem:s25+$0xC0E0] =	vst v7  }
0xd6: {  	[tilespmem:s25+$0xC0F0] =	vst v8  }
0xd7: {  	[tilespmem:s25+$0xC100] =	vst v1  }
0xd8: {  	[tilespmem:s25+$0xC110] =	vst v2  }
.Ltmp12:
0xd9: {  	[tilespmem:s25+$0xC120] =	vst v3;
	(pc) =	sbr.rel @p0 .LBB2_14-.Ltmp12, $4  }
0xda: {  	[tilespmem:s25+$0xC130] =	vst v4  }
0xdb: {  	[tilespmem:s25+$0xC140] =	vst v5  }
0xdc: {  	[tilespmem:s25+$0xC150] =	vst v6  }
0xdd: {  	[tilespmem:s25+$0xC160] =	vst v7;
	s25 =	sshra.s32 s29, $0x2;
	s29 =	sadd.s32 $0x400, s29  }
0xde: {  	[tilespmem:s25+$0xC170] =	vst v8  }
0xdf: {  	[tilespmem:s25+$0xC080] =	vst v1  }
0xe0: {  	[tilespmem:s25+$0xC090] =	vst v2  }
0xe1: {  	[tilespmem:s25+$0xC0A0] =	vst v3  }
0xe2: {  	[tilespmem:s25+$0xC0B0] =	vst v4  }
0xe3: {  	[tilespmem:s25+$0xC0C0] =	vst v5  }
0xe4: {  	[tilespmem:s25+$0xC0D0] =	vst v6  }
0xe5: {  	[tilespmem:s25+$0xC0E0] =	vst v7  }
0xe6: {  	[tilespmem:s25+$0xC0F0] =	vst v8  }
0xe7: {  	[tilespmem:s25+$0xC100] =	vst v1  }
0xe8: {  	[tilespmem:s25+$0xC110] =	vst v2  }
0xe9: {  	[tilespmem:s25+$0xC120] =	vst v3  }
0xea: {  	[tilespmem:s25+$0xC130] =	vst v4  }
0xeb: {  	[tilespmem:s25+$0xC140] =	vst v5  }
0xec: {  	[tilespmem:s25+$0xC150] =	vst v6  }
0xed: {  	[tilespmem:s25+$0xC160] =	vst v7  }
.LBB2_16:
0xee: {  	p0 =	sgt.s32 s24, $0x3FFF  }
0xef: {  	v1 =	vld.msk @!p0 [tilespmem:s24+$0x0 ss:$0x0], $0xffff;
	_ =	sdelay $0x5  }
0xf0: {  	s2 =	rddreg [dreg:$0x0]  }
0xf1: {  	s25 =	ssub.s32 s24, s26;
	vm1 =	vmmov @!p0 $0xffff;
	s0 =	simm.s32 @!p0 $0x0;
	s1 =	simm.s32 @!p0 $0x14080  }
0xf2: {  	[tilespmem:s1], [sflag:$0x1] =	stream.indirect_vreg.gather @!p0 [hbm4b:s2+s0], $0x80, v1, vm1, $0xb8;
	[tilespmem:$0x15080] =	vst v63  }
0xf3: {  	p0 =	slt.s32 s25, $0x100  }
.Ltmp13:
0xf4: {  	_ = 	snop;
	(pc) =	sbr.rel @p0 .LBB2_42-.Ltmp13, $1  }
0xf5: {  	_ =	sdelay $0x3  }
0xf6: {  	s0 =	sshrl.u32 s25, $0x8  }
0xf7: {  	s30 =	sadd.s32 $0xFFFFFFFF, s0  }
0xf8: {  	s25 =	sand.u32 $0xFF, s25;
	p1 =	sne.s32 s30, $0x0  }
.Ltmp14:
0xf9: {  	s1 =	sadd.s32 s26, s5;
	p0 =	por $0x1, $0x1;
	(pc) =	sbr.rel @!p1 .LBB2_19-.Ltmp14, $4  }
0xfa: {  	s2 =	simm.s32 $0x0;
	s0 =	simm.s32 @!p0 $0x4;
	s29 =	simm.s32 @!p0 $0xFFFFFFFF  }
0xfb: {  	s1 =	sshll.u32 s1, $0x4;
	_ =	swait.ge @!p0 [sflag:s0], $0x8000;
	s29 =	smov.u32 @p0 s2  }
0xfc: {  	s21 =	sand.u32 $0x1FFFFFF0, s1;
	s31 =	sadd.s32 $0x1000, s1;
	[sflag:s0] =	ssyncset.done @!p0 $0x0  }
0xfd: {  	s26 =	sadd.s32 $0x1, s29;
	[sflag:s0] =	ssyncadd.s32 @!p0 $0xFFFF8000;
	s0 =	sadd.s32 s3, s21  }
.LBB2_18:
0xfe: {  	[hbm4b:s0+s4] =	stream.linear.scatter [tilespmem:s20], [sflag:$0x4], $0x8000, $0x38;
	[tilespmem:$0x15080] =	vst v63  }
0xff: {  	s30 =	sadd.s32 $0xFFFFFFFF, s30  }
0x100: {  	p1 =	sne.s32 s30, $0x0  }
.Ltmp15:
0x101: {  	p0 =	slt.s32 s26, $0x8;
	(pc) =	sbr.rel @p1 .LBB2_18-.Ltmp15, $4  }
0x102: {  	s0 =	simm.s32 @!p0 $0x4;
	s29 =	sadd.s32 @!p0 $0xFFFFFFFF, s26  }
0x103: {  	s29 =	smov.u32 @p0 s26;
	_ =	swait.ge @!p0 [sflag:s0], $0x8000  }
0x104: {  	s1 =	sand.u32 $0x1FFFFFF0, s31;
	s26 =	sadd.s32 $0x1, s29;
	[sflag:s0] =	ssyncset.done @!p0 $0x0  }
0x105: {  	s31 =	sadd.s32 $0x1000, s31;
	[sflag:s0] =	ssyncadd.s32 @!p0 $0xFFFF8000;
	s0 =	sadd.s32 s3, s1  }
.LBB2_19:
0x106: {  	[hbm4b:s0+s4] =	stream.linear.scatter [tilespmem:s20], [sflag:$0x4], $0x8000, $0x38;
	[tilespmem:$0x15080] =	vst v63  }
0x107: {  	p0 =	seq.s32 s25, $0x0  }
0x108: {  	p1 =	slt.s32 @!p0 s29, $0x7  }
0x109: {  	p2 =	por p1, p0  }
0x10a: {  	s0 =	simm.s32 @!p2 $0x4  }
0x10b: {  	_ =	swait.ge @!p2 [sflag:s0], $0x8000  }
0x10c: {  	s2 =	smov.u32 s26;
	s6 =	simm.s32 @!p0 $0xC080;
	s1 =	rddreg [dreg:$0x7]  }
.Ltmp16:
0x10d: {  	p1 =	por !p1, p0;
	s1 =	sadd.s32 @!p0 s24, s1;
	(pc) =	sbr.rel .LBB2_52-.Ltmp16, $4  }
0x10e: {  	s2 =	smov.u32 @p1 s29;
	[sflag:s0] =	ssyncset.done @!p2 $0x0;
	s1 =	sshll.u32 @!p0 s1, $0x4  }
0x10f: {  	s25 =	sadd.s32 @!p0 $0x1, s2;
	[sflag:s0] =	ssyncadd.s32 @!p2 $0xFFFF8000;
	s0 =	sand.u32 @!p0 $0x1FFFFFF0, s1  }
0x110: {  	s25 =	smov.u32 @p0 s26;
	s1 =	simm.s32 @!p0 $0x0;
	s0 =	sadd.s32 @!p0 s3, s0  }
0x111: {  	[hbm4b:s0+s1] =	stream.linear.scatter @!p0 [tilespmem:s6], [sflag:$0x4], $0x8000, $0x38;
	[tilespmem:$0x15080] =	vst v63  }
.LBB2_20:
0x112: {  	p0 =	slt.s32 s28, $0x1  }
.Ltmp17:
0x113: {  	_ = 	snop;
	(pc) =	sbr.rel @p0 .LBB2_24-.Ltmp17, $1  }
0x114: {  	_ =	sdelay $0x3  }
0x115: {  	p0 =	sne.s32 s28, $0x1  }
.Ltmp18:
0x116: {  	_ = 	snop;
	(pc) =	sbr.rel @!p0 .LBB2_23-.Ltmp18, $3  }
0x117: {  	_ =	sdelay $0x1  }
0x118: {  	_ =	swait.ge [sflag:s16], $0x8000  }
0x119: {  	s0 =	sadd.s32 $0xFFFFFFFF, s28;
	[sflag:s16] =	ssyncset.done $0x0  }
.LBB2_22:
0x11a: {  	p0 =	sne.s32 s0, $0x1;
	s0 =	sadd.s32 $0xFFFFFFFF, s0;
	[sflag:s16] =	ssyncadd.s32 $0xFFFF8000  }
.Ltmp19:
0x11b: {  	(pc) =	sbr.rel @p0 .LBB2_22-.Ltmp19, $3  }
0x11c: {  	_ =	sdelay $0x1  }
0x11d: {  	_ =	swait.ge [sflag:s16], $0x8000  }
0x11e: {  	[sflag:s16] =	ssyncset.done $0x0  }
.LBB2_23:
0x11f: {  	[sflag:s16] =	ssyncadd.s32 $0xFFFF8000  }
.LBB2_24:
0x120: {  	p0 =	slt.s32 s26, $0x1  }
.Ltmp20:
0x121: {  	_ = 	snop;
	(pc) =	sbr.rel @p0 .LBB2_28-.Ltmp20, $1  }
0x122: {  	_ =	sdelay $0x3  }
0x123: {  	s0 =	simm.s32 $0x1  }
0x124: {  	_ =	swait.ge [sflag:s0], $0x800  }
0x125: {  	[sflag:s0] =	ssyncset.done $0x0  }
0x126: {  	[sflag:s0] =	ssyncadd.s32 $0xFFFFF800  }
0x127: {  	v1 =	vld [tilespmem:$0x14080]  }
0x128: {  	v2 =	vld [tilespmem:$0x14090]  }
0x129: {  	v3 =	vld [tilespmem:$0x140A0]  }
0x12a: {  	v8 =	vld [tilespmem:$0x140F0]  }
0x12b: {  	v4 =	vld [tilespmem:$0x140B0]  }
0x12c: {  	v5 =	vld [tilespmem:$0x140C0]  }
0x12d: {  	v6 =	vld [tilespmem:$0x140D0]  }
0x12e: {  	s28 =	simm.s32 $0x0;
	s29 =	simm.s32 $0x400;
	v7 =	vld [tilespmem:$0x140E0]  }
.LBB2_26:
0x12f: {  	p0 =	sne.s32 s29, $0x1FC00;
	[tilespmem:s28+$0x4170] =	vst v8  }
0x130: {  	[tilespmem:s28+$0x4080] =	vst v1  }
0x131: {  	[tilespmem:s28+$0x4090] =	vst v2  }
0x132: {  	[tilespmem:s28+$0x40A0] =	vst v3  }
0x133: {  	[tilespmem:s28+$0x40B0] =	vst v4  }
0x134: {  	[tilespmem:s28+$0x40C0] =	vst v5  }
0x135: {  	[tilespmem:s28+$0x40D0] =	vst v6  }
0x136: {  	[tilespmem:s28+$0x40E0] =	vst v7  }
0x137: {  	[tilespmem:s28+$0x40F0] =	vst v8  }
0x138: {  	[tilespmem:s28+$0x4100] =	vst v1  }
0x139: {  	[tilespmem:s28+$0x4110] =	vst v2  }
.Ltmp21:
0x13a: {  	[tilespmem:s28+$0x4120] =	vst v3;
	(pc) =	sbr.rel @p0 .LBB2_26-.Ltmp21, $4  }
0x13b: {  	[tilespmem:s28+$0x4130] =	vst v4  }
0x13c: {  	[tilespmem:s28+$0x4140] =	vst v5  }
0x13d: {  	[tilespmem:s28+$0x4150] =	vst v6  }
0x13e: {  	[tilespmem:s28+$0x4160] =	vst v7;
	s28 =	sshra.s32 s29, $0x2;
	s29 =	sadd.s32 $0x400, s29  }
0x13f: {  	[tilespmem:s28+$0x4170] =	vst v8  }
0x140: {  	[tilespmem:s28+$0x4080] =	vst v1  }
0x141: {  	[tilespmem:s28+$0x4090] =	vst v2  }
0x142: {  	[tilespmem:s28+$0x40A0] =	vst v3  }
0x143: {  	[tilespmem:s28+$0x40B0] =	vst v4  }
0x144: {  	[tilespmem:s28+$0x40C0] =	vst v5  }
0x145: {  	[tilespmem:s28+$0x40D0] =	vst v6  }
0x146: {  	[tilespmem:s28+$0x40E0] =	vst v7  }
0x147: {  	[tilespmem:s28+$0x40F0] =	vst v8  }
0x148: {  	[tilespmem:s28+$0x4100] =	vst v1  }
0x149: {  	[tilespmem:s28+$0x4110] =	vst v2  }
0x14a: {  	[tilespmem:s28+$0x4120] =	vst v3  }
0x14b: {  	[tilespmem:s28+$0x4130] =	vst v4  }
0x14c: {  	[tilespmem:s28+$0x4140] =	vst v5  }
0x14d: {  	[tilespmem:s28+$0x4150] =	vst v6  }
0x14e: {  	[tilespmem:s28+$0x4160] =	vst v7  }
.LBB2_28:
0x14f: {  	p0 =	sgt.s32 s24, $0x3FFF  }
0x150: {  	v1 =	vld.msk @!p0 [tilespmem:s24+$0x0 ss:$0x0], $0xffff;
	_ =	sdelay $0x5  }
0x151: {  	s2 =	rddreg [dreg:$0x0]  }
0x152: {  	s28 =	ssub.s32 s24, s26;
	vm1 =	vmmov @!p0 $0xffff;
	s0 =	simm.s32 @!p0 $0x0;
	s1 =	simm.s32 @!p0 $0x14880  }
0x153: {  	[tilespmem:s1], [sflag:$0x2] =	stream.indirect_vreg.gather @!p0 [hbm4b:s2+s0], $0x80, v1, vm1, $0xb8;
	[tilespmem:$0x15080] =	vst v63  }
0x154: {  	p0 =	slt.s32 s28, $0x100  }
.Ltmp22:
0x155: {  	_ = 	snop;
	(pc) =	sbr.rel @p0 .LBB2_32-.Ltmp22, $1  }
0x156: {  	_ =	sdelay $0x3  }
0x157: {  	s0 =	sshrl.u32 s28, $0x8  }
0x158: {  	s30 =	sadd.s32 $0xFFFFFFFF, s0  }
0x159: {  	s28 =	sand.u32 $0xFF, s28;
	p1 =	sne.s32 s30, $0x0  }
.Ltmp23:
0x15a: {  	s1 =	sadd.s32 s26, s5;
	p0 =	por $0x1, $0x1;
	(pc) =	sbr.rel @!p1 .LBB2_31-.Ltmp23, $4  }
0x15b: {  	s2 =	simm.s32 $0x0;
	s0 =	simm.s32 @!p0 $0x3;
	s29 =	simm.s32 @!p0 $0xFFFFFFFF  }
0x15c: {  	s1 =	sshll.u32 s1, $0x4;
	_ =	swait.ge @!p0 [sflag:s0], $0x8000;
	s29 =	smov.u32 @p0 s2  }
0x15d: {  	s21 =	sand.u32 $0x1FFFFFF0, s1;
	s31 =	sadd.s32 $0x1000, s1;
	[sflag:s0] =	ssyncset.done @!p0 $0x0  }
0x15e: {  	s26 =	sadd.s32 $0x1, s29;
	[sflag:s0] =	ssyncadd.s32 @!p0 $0xFFFF8000;
	s0 =	sadd.s32 s3, s21  }
.LBB2_30:
0x15f: {  	[hbm4b:s0+s4] =	stream.linear.scatter [tilespmem:s17], [sflag:$0x3], $0x8000, $0x38;
	[tilespmem:$0x15080] =	vst v63  }
0x160: {  	s30 =	sadd.s32 $0xFFFFFFFF, s30  }
0x161: {  	p1 =	sne.s32 s30, $0x0  }
.Ltmp24:
0x162: {  	p0 =	slt.s32 s26, $0x8;
	(pc) =	sbr.rel @p1 .LBB2_30-.Ltmp24, $4  }
0x163: {  	s0 =	simm.s32 @!p0 $0x3;
	s29 =	sadd.s32 @!p0 $0xFFFFFFFF, s26  }
0x164: {  	s29 =	smov.u32 @p0 s26;
	_ =	swait.ge @!p0 [sflag:s0], $0x8000  }
0x165: {  	s1 =	sand.u32 $0x1FFFFFF0, s31;
	s26 =	sadd.s32 $0x1, s29;
	[sflag:s0] =	ssyncset.done @!p0 $0x0  }
0x166: {  	s31 =	sadd.s32 $0x1000, s31;
	[sflag:s0] =	ssyncadd.s32 @!p0 $0xFFFF8000;
	s0 =	sadd.s32 s3, s1  }
.LBB2_31:
0x167: {  	[hbm4b:s0+s4] =	stream.linear.scatter [tilespmem:s17], [sflag:$0x3], $0x8000, $0x38;
	[tilespmem:$0x15080] =	vst v63  }
0x168: {  	p0 =	seq.s32 s28, $0x0  }
0x169: {  	p1 =	slt.s32 @!p0 s29, $0x7  }
0x16a: {  	p2 =	por p1, p0  }
0x16b: {  	s0 =	simm.s32 @!p2 $0x3  }
0x16c: {  	_ =	swait.ge @!p2 [sflag:s0], $0x8000  }
0x16d: {  	s2 =	smov.u32 s26;
	s6 =	simm.s32 @!p0 $0x4080;
	s1 =	rddreg [dreg:$0x7]  }
.Ltmp25:
0x16e: {  	p1 =	por !p1, p0;
	s1 =	sadd.s32 @!p0 s24, s1;
	(pc) =	sbr.rel .LBB2_52-.Ltmp25, $4  }
0x16f: {  	s2 =	smov.u32 @p1 s29;
	[sflag:s0] =	ssyncset.done @!p2 $0x0;
	s1 =	sshll.u32 @!p0 s1, $0x4  }
0x170: {  	s28 =	sadd.s32 @!p0 $0x1, s2;
	[sflag:s0] =	ssyncadd.s32 @!p2 $0xFFFF8000;
	s0 =	sand.u32 @!p0 $0x1FFFFFF0, s1  }
0x171: {  	s28 =	smov.u32 @p0 s26;
	s1 =	simm.s32 @!p0 $0x0;
	s0 =	sadd.s32 @!p0 s3, s0  }
0x172: {  	[hbm4b:s0+s1] =	stream.linear.scatter @!p0 [tilespmem:s6], [sflag:$0x3], $0x8000, $0x38;
	[tilespmem:$0x15080] =	vst v63  }
.LBB2_42:
0x173: {  	s0 =	sshra.s32 s25, $0x1F  }
0x174: {  	p0 =	sne.s32 s24, s26;
	s2 =	simm.s32 $0x1;
	s1 =	sshrl.u32 s0, $0x1C  }
0x175: {  	s2 =	simm.s32 @!p0 $0x0;
	s1 =	sadd.s32 s1, s25  }
0x176: {  	s0 =	sor.u32 s2, s0;
	s31 =	sand.u32 $0xFFFFFFF0, s1  }
0x177: {  	p6 =	sne.s32 s0, $0x1;
	p1 =	sne.s32 s25, s31  }
0x178: {  	p0 =	por !p1, !p6  }
0x179: {  	s0 =	simm.s32 $0x1;
	p0 =	por !p0, !p0  }
0x17a: {  	s1 =	sshra.s32 s1, $0x4;
	s0 =	simm.s32 @!p0 $0x0  }
0x17b: {  	s29 =	ssub.s32 s1, s0  }
0x17c: {  	p0 =	slt.s32 s29, $0x1  }
.Ltmp26:
0x17d: {  	_ = 	snop;
	(pc) =	sbr.rel @p0 .LBB2_46-.Ltmp26, $1  }
0x17e: {  	_ =	sdelay $0x3  }
0x17f: {  	s0 =	sadd.s32 s26, s5;
	p0 =	sne.s32 s29, $0x1  }
.Ltmp27:
0x180: {  	s1 =	sshll.u32 s0, $0x4;
	(pc) =	sbr.rel @!p0 .LBB2_45-.Ltmp27, $4  }
0x181: {  	s0 =	sand.u32 $0x1FFFFFF0, s1  }
0x182: {  	s0 =	sadd.s32 s3, s0  }
0x183: {  	[hbm4b:s0+s4] =	stream.linear.scatter [tilespmem:s20], [sflag:$0x5], $0x800, $0x38;
	[tilespmem:$0x15080] =	vst v63  }
0x184: {  	s30 =	sadd.s32 $0x100, s1;
	s0 =	sadd.s32 $0xFFFFFFFF, s29;
	_ =	swait.ge [sflag:s15], $0x800  }
.LBB2_44:
0x185: {  	s1 =	sand.u32 $0x1FFFFFF0, s30;
	[sflag:s15] =	ssyncset.done $0x0;
	p0 =	sne.s32 s0, $0x1  }
.Ltmp28:
0x186: {  	s1 =	sadd.s32 s3, s1;
	[sflag:s15] =	ssyncadd.s32 $0xFFFFF800;
	(pc) =	sbr.rel @p0 .LBB2_44-.Ltmp28, $3  }
0x187: {  	[hbm4b:s1+s4] =	stream.linear.scatter [tilespmem:s20], [sflag:$0x5], $0x800, $0x38;
	[tilespmem:$0x15080] =	vst v63  }
0x188: {  	s0 =	sadd.s32 $0xFFFFFFFF, s0;
	_ =	sdelay $0x1  }
0x189: {  	s30 =	sadd.s32 $0x100, s30;
	_ =	swait.ge [sflag:s15], $0x800  }
.LBB2_45:
0x18a: {  	[sflag:s15] =	ssyncset.done $0x0  }
0x18b: {  	[sflag:s15] =	ssyncadd.s32 $0xFFFFF800  }
.LBB2_46:
0x18c: {  	s0 =	sand.u32 $0xF, s25  }
0x18d: {  	p0 =	seq.s32 s0, $0x0  }
.Ltmp29:
0x18e: {  	_ = 	snop;
	(pc) =	sbr.rel @p0 .LBB2_47-.Ltmp29, $1  }
0x18f: {  	_ =	sdelay $0x3  }
0x190: {  	p0 =	sgt.s32 s25, $0xF  }
.Ltmp30:
0x191: {  	_ = 	snop;
	(pc) =	sbr.rel @!p0 .LBB2_49-.Ltmp30, $1  }
0x192: {  	_ =	sdelay $0x3  }
0x193: {  	s0 =	rddreg [dreg:$0x6]  }
0x194: {  	s0 =	sadd.s32 s24, s0  }
0x195: {  	s0 =	sshll.u32 s0, $0x4  }
0x196: {  	s0 =	sand.u32 $0x1FFFFFF0, s0  }
.Ltmp31:
0x197: {  	s25 =	simm.s32 $0x0;
	s0 =	sadd.s32 s3, s0;
	(pc) =	sbr.rel .LBB2_52-.Ltmp31, $4  }
0x198: {  	[hbm4b:s0+s25] =	stream.linear.scatter [tilespmem:s20], [sflag:$0x5], $0x800, $0x38;
	[tilespmem:$0x15080] =	vst v63  }
0x199: {  	_ =	swait.ge [sflag:s15], $0x800  }
0x19a: {  	[sflag:s15] =	ssyncset.done $0x0  }
0x19b: {  	[sflag:s15] =	ssyncadd.s32 $0xFFFFF800  }
.LBB2_32:
0x19c: {  	s0 =	sshra.s32 s28, $0x1F  }
0x19d: {  	p0 =	sne.s32 s24, s26;
	s2 =	simm.s32 $0x1;
	s1 =	sshrl.u32 s0, $0x1C  }
0x19e: {  	s2 =	simm.s32 @!p0 $0x0;
	s1 =	sadd.s32 s1, s28  }
0x19f: {  	s0 =	sor.u32 s2, s0;
	s31 =	sand.u32 $0xFFFFFFF0, s1  }
0x1a0: {  	p6 =	sne.s32 s0, $0x1;
	p1 =	sne.s32 s28, s31  }
0x1a1: {  	p0 =	por !p1, !p6  }
0x1a2: {  	s0 =	simm.s32 $0x1;
	p0 =	por !p0, !p0  }
0x1a3: {  	s1 =	sshra.s32 s1, $0x4;
	s0 =	simm.s32 @!p0 $0x0  }
0x1a4: {  	s29 =	ssub.s32 s1, s0  }
0x1a5: {  	p0 =	slt.s32 s29, $0x1  }
.Ltmp32:
0x1a6: {  	_ = 	snop;
	(pc) =	sbr.rel @p0 .LBB2_36-.Ltmp32, $1  }
0x1a7: {  	_ =	sdelay $0x3  }
0x1a8: {  	s0 =	sadd.s32 s26, s5;
	p0 =	sne.s32 s29, $0x1  }
.Ltmp33:
0x1a9: {  	s1 =	sshll.u32 s0, $0x4;
	(pc) =	sbr.rel @!p0 .LBB2_35-.Ltmp33, $4  }
0x1aa: {  	s0 =	sand.u32 $0x1FFFFFF0, s1  }
0x1ab: {  	s0 =	sadd.s32 s3, s0  }
0x1ac: {  	[hbm4b:s0+s4] =	stream.linear.scatter [tilespmem:s17], [sflag:$0x5], $0x800, $0x38;
	[tilespmem:$0x15080] =	vst v63  }
0x1ad: {  	s30 =	sadd.s32 $0x100, s1;
	s0 =	sadd.s32 $0xFFFFFFFF, s29;
	_ =	swait.ge [sflag:s15], $0x800  }
.LBB2_34:
0x1ae: {  	s1 =	sand.u32 $0x1FFFFFF0, s30;
	[sflag:s15] =	ssyncset.done $0x0;
	p0 =	sne.s32 s0, $0x1  }
.Ltmp34:
0x1af: {  	s1 =	sadd.s32 s3, s1;
	[sflag:s15] =	ssyncadd.s32 $0xFFFFF800;
	(pc) =	sbr.rel @p0 .LBB2_34-.Ltmp34, $3  }
0x1b0: {  	[hbm4b:s1+s4] =	stream.linear.scatter [tilespmem:s17], [sflag:$0x5], $0x800, $0x38;
	[tilespmem:$0x15080] =	vst v63  }
0x1b1: {  	s0 =	sadd.s32 $0xFFFFFFFF, s0;
	_ =	sdelay $0x1  }
0x1b2: {  	s30 =	sadd.s32 $0x100, s30;
	_ =	swait.ge [sflag:s15], $0x800  }
.LBB2_35:
0x1b3: {  	[sflag:s15] =	ssyncset.done $0x0  }
0x1b4: {  	[sflag:s15] =	ssyncadd.s32 $0xFFFFF800  }
.LBB2_36:
0x1b5: {  	s0 =	sand.u32 $0xF, s28  }
0x1b6: {  	p0 =	seq.s32 s0, $0x0  }
.Ltmp35:
0x1b7: {  	_ = 	snop;
	(pc) =	sbr.rel @p0 .LBB2_37-.Ltmp35, $1  }
0x1b8: {  	_ =	sdelay $0x3  }
0x1b9: {  	p0 =	sgt.s32 s28, $0xF  }
.Ltmp36:
0x1ba: {  	_ = 	snop;
	(pc) =	sbr.rel @!p0 .LBB2_39-.Ltmp36, $1  }
0x1bb: {  	_ =	sdelay $0x3  }
0x1bc: {  	s0 =	rddreg [dreg:$0x6]  }
0x1bd: {  	s0 =	sadd.s32 s24, s0  }
0x1be: {  	s0 =	sshll.u32 s0, $0x4  }
0x1bf: {  	s0 =	sand.u32 $0x1FFFFFF0, s0  }
.Ltmp37:
0x1c0: {  	s28 =	simm.s32 $0x0;
	s0 =	sadd.s32 s3, s0;
	(pc) =	sbr.rel .LBB2_52-.Ltmp37, $4  }
0x1c1: {  	[hbm4b:s0+s28] =	stream.linear.scatter [tilespmem:s17], [sflag:$0x5], $0x800, $0x38;
	[tilespmem:$0x15080] =	vst v63  }
0x1c2: {  	_ =	swait.ge [sflag:s15], $0x800  }
0x1c3: {  	[sflag:s15] =	ssyncset.done $0x0  }
0x1c4: {  	[sflag:s15] =	ssyncadd.s32 $0xFFFFF800  }
.LBB2_49:
0x1c5: {  	s1 =	sshll.u32 s29, $0x4;
	s2 =	sadd.s32 s26, s5  }
0x1c6: {  	p0 =	sne.s32 s0, $0x1;
	s1 =	sadd.s32 s1, s2  }
.Ltmp38:
0x1c7: {  	s31 =	sshll.u32 s1, $0x4;
	(pc) =	sbr.rel @!p0 .LBB2_51-.Ltmp38, $4  }
0x1c8: {  	s1 =	sand.u32 $0x1FFFFFF0, s31  }
0x1c9: {  	s25 =	simm.s32 $0x0;
	s1 =	sadd.s32 s3, s1  }
0x1ca: {  	[hbm4b:s1+s25] =	stream.linear.scatter [tilespmem:s20], [sflag:$0x5], $0x80, $0x38;
	[tilespmem:$0x15080] =	vst v63  }
0x1cb: {  	s0 =	sadd.s32 $0xFFFFFFFF, s0;
	s26 =	sadd.s32 $0x10, s31;
	_ =	swait.ge [sflag:s15], $0x80  }
.LBB2_50:
0x1cc: {  	s1 =	sand.u32 $0x1FFFFFF0, s26  }
0x1cd: {  	[sflag:s15] =	ssyncset.done $0x0;
	s25 =	simm.s32 $0x0;
	p0 =	sne.s32 s0, $0x1  }
.Ltmp39:
0x1ce: {  	s1 =	sadd.s32 s3, s1;
	[sflag:s15] =	ssyncadd.s32 $0xFFFFFF80;
	(pc) =	sbr.rel @p0 .LBB2_50-.Ltmp39, $3  }
0x1cf: {  	[hbm4b:s1+s25] =	stream.linear.scatter [tilespmem:s20], [sflag:$0x5], $0x80, $0x38;
	[tilespmem:$0x15080] =	vst v63  }
0x1d0: {  	s0 =	sadd.s32 $0xFFFFFFFF, s0;
	_ =	sdelay $0x1  }
0x1d1: {  	s26 =	sadd.s32 $0x10, s26;
	_ =	swait.ge [sflag:s15], $0x80  }
.LBB2_51:
.Ltmp40:
0x1d2: {  	(pc) =	sbr.rel .LBB2_52-.Ltmp40, $3  }
0x1d3: {  	_ =	sdelay $0x1  }
0x1d4: {  	[sflag:s15] =	ssyncset.done $0x0  }
0x1d5: {  	[sflag:s15] =	ssyncadd.s32 $0xFFFFFF80  }
.LBB2_37:
.Ltmp41:
0x1d6: {  	(pc) =	sbr.rel .LBB2_52-.Ltmp41, $2  }
0x1d7: {  	_ =	sdelay $0x2  }
0x1d8: {  	s28 =	simm.s32 $0x0  }
.LBB2_39:
0x1d9: {  	s1 =	sshll.u32 s29, $0x4;
	s2 =	sadd.s32 s26, s5  }
0x1da: {  	p0 =	seq.s32 s0, $0x1;
	s1 =	sadd.s32 s1, s2  }
.Ltmp42:
0x1db: {  	s31 =	sshll.u32 s1, $0x4;
	(pc) =	sbr.rel @p0 .LBB2_41-.Ltmp42, $4  }
0x1dc: {  	s1 =	sand.u32 $0x1FFFFFF0, s31  }
0x1dd: {  	s28 =	simm.s32 $0x0;
	s1 =	sadd.s32 s3, s1  }
0x1de: {  	[hbm4b:s1+s28] =	stream.linear.scatter [tilespmem:s17], [sflag:$0x5], $0x80, $0x38;
	[tilespmem:$0x15080] =	vst v63  }
0x1df: {  	s0 =	sadd.s32 $0xFFFFFFFF, s0;
	s26 =	sadd.s32 $0x10, s31;
	_ =	swait.ge [sflag:s15], $0x80  }
.LBB2_40:
0x1e0: {  	s1 =	sand.u32 $0x1FFFFFF0, s26  }
0x1e1: {  	[sflag:s15] =	ssyncset.done $0x0;
	s28 =	simm.s32 $0x0;
	p0 =	seq.s32 s0, $0x1  }
.Ltmp43:
0x1e2: {  	s1 =	sadd.s32 s3, s1;
	[sflag:s15] =	ssyncadd.s32 $0xFFFFFF80;
	(pc) =	sbr.rel @!p0 .LBB2_40-.Ltmp43, $3  }
0x1e3: {  	[hbm4b:s1+s28] =	stream.linear.scatter [tilespmem:s17], [sflag:$0x5], $0x80, $0x38;
	[tilespmem:$0x15080] =	vst v63  }
0x1e4: {  	s0 =	sadd.s32 $0xFFFFFFFF, s0;
	_ =	sdelay $0x1  }
0x1e5: {  	s26 =	sadd.s32 $0x10, s26;
	_ =	swait.ge [sflag:s15], $0x80  }
.LBB2_41:
.Ltmp44:
0x1e6: {  	(pc) =	sbr.rel .LBB2_52-.Ltmp44, $3  }
0x1e7: {  	_ =	sdelay $0x1  }
0x1e8: {  	[sflag:s15] =	ssyncset.done $0x0  }
0x1e9: {  	[sflag:s15] =	ssyncadd.s32 $0xFFFFFF80  }
.LBB2_54:
0x1ea: {  	p0 =	sgt.s32 s28, $0x0  }
.Ltmp45:
0x1eb: {  	_ = 	snop;
	(pc) =	sbr.rel @!p0 .LBB2_55-.Ltmp45, $2  }
0x1ec: {  	_ =	sdelay $0x2  }
0x1ed: {  	s1 =	rddreg [dreg:$0x9]  }
0x1ee: {  	p0 =	seq.s32 s28, $0x1  }
.Ltmp46:
0x1ef: {  	_ = 	snop;
	(pc) =	sbr.rel @p0 .LBB2_63-.Ltmp46, $3  }
0x1f0: {  	_ =	sdelay $0x1  }
0x1f1: {  	_ =	swait.ge [sflag:s16], $0x8000  }
0x1f2: {  	s0 =	sadd.s32 $0xFFFFFFFF, s28;
	[sflag:s16] =	ssyncset.done $0x0  }
.LBB2_62:
0x1f3: {  	p0 =	seq.s32 s0, $0x1;
	s0 =	sadd.s32 $0xFFFFFFFF, s0;
	[sflag:s16] =	ssyncadd.s32 $0xFFFF8000  }
.Ltmp47:
0x1f4: {  	(pc) =	sbr.rel @!p0 .LBB2_62-.Ltmp47, $3  }
0x1f5: {  	_ =	sdelay $0x1  }
0x1f6: {  	_ =	swait.ge [sflag:s16], $0x8000  }
0x1f7: {  	[sflag:s16] =	ssyncset.done $0x0  }
.LBB2_63:
0x1f8: {  	[sflag:s16] =	ssyncadd.s32 $0xFFFF8000  }
.LBB2_55:
0x1f9: {  	p0 =	sgt.s32 s25, $0x0  }
.Ltmp48:
0x1fa: {  	_ = 	snop;
	(pc) =	sbr.rel @!p0 .LBB2_59-.Ltmp48, $1  }
0x1fb: {  	_ =	sdelay $0x3  }
0x1fc: {  	p0 =	sne.s32 s25, $0x1  }
.Ltmp49:
0x1fd: {  	_ = 	snop;
	(pc) =	sbr.rel @!p0 .LBB2_58-.Ltmp49, $3  }
0x1fe: {  	_ =	sdelay $0x1  }
0x1ff: {  	_ =	swait.ge [sflag:s18], $0x8000  }
0x200: {  	s0 =	sadd.s32 $0xFFFFFFFF, s25;
	[sflag:s18] =	ssyncset.done $0x0  }
.LBB2_57:
0x201: {  	p0 =	sne.s32 s0, $0x1;
	s0 =	sadd.s32 $0xFFFFFFFF, s0;
	[sflag:s18] =	ssyncadd.s32 $0xFFFF8000  }
.Ltmp50:
0x202: {  	(pc) =	sbr.rel @p0 .LBB2_57-.Ltmp50, $3  }
0x203: {  	_ =	sdelay $0x1  }
0x204: {  	_ =	swait.ge [sflag:s18], $0x8000  }
0x205: {  	[sflag:s18] =	ssyncset.done $0x0  }
.Ltmp51:
0x206: {  	_ = 	snop;
	(pc) =	sbr.rel .LBB2_58-.Ltmp51, $1  }
0x207: {  	_ =	sdelay $0x3  }
.LBB2_60:
0x208: {  	_ =	sfence.sel $0x180000  }
0x209: {  	[bflag:$0x0] =	sbarrier.arrive $0xFFFF  }
0x20a: {  	_ =	strace $0x90000047  }
0x20b: {  	s0 =	stileid.u32;
	[bflag:$0x2] =	sbarrier.arrive $0xFFFF  }
0x20c: {  	p0 =	sne.s32 s0, $0x0;
	s0 =	rddreg [dreg:$0x3]  }
0x20d: {  	s0 =	sadd.s32 @!p0 $0x100000, s0  }
0x20e: {  	[sflag:s0] =	ssyncadd.tile.s32 @!p0 $0x1;
	_ =	shalt  }
.Lfunc_end2:
_tile_overlayer_lowered:
.L_overlay_start_2:
0x20f: {  	(tag) =	ssettag $0x2  }
0x210: {  	s0 =	rddreg [dreg:$0x0];
	s2 =	stileid.u32  }
0x211: {  	s1 =	rddreg [dreg:$0x1];
	p0 =	sne.s32 s2, $0x0  }
0x212: {  	s3 =	rddreg [dreg:$0x2];
	[bflag:$0x3] =	sbarrier.arrive $0xFFFF;
	s2 =	simm.s32 @!p0 $0x1C06  }
0x213: {  	[timem:s3], [sflag:s2] =	dma.local @!p0 [hbm:s0], s1  }
0x214: {  	s0 =	simm.s32 @!p0 $0x6  }
0x215: {  	_ =	swait.ge @!p0 [sflag:s0], s1  }
0x216: {  	s1 =	ssub.s32 @!p0 $0x0, s1;
	[sflag:s0] =	ssyncset.done @!p0 $0x0  }
0x217: {  	[sflag:s0] =	ssyncadd.s32 @!p0 s1  }
0x218: {  	[bflag:$0x3] =	sbarrier.arrive $0xFFFF  }
0x219: {  	_ =	shalt  }

</sc_bundles>
